<compile_context>
chip_gen: v7x
topology: tpu7x:2x2x1
jax: 0.10.2.dev20260603
libtpu: 0.0.44.dev20260713+nightly
codegen_flags: <defaults>
</compile_context>

<pallas_src>
import functools

import jax
import jax.numpy as jnp
from jax import lax
from jax.experimental import pallas as pl
from jax.experimental.pallas import tpu as pltpu
from jax.experimental.pallas import tpu_sc as plsc

EMB = 32

_NUM_CORES = 2
_NUM_SUBCORES = 16
_NW = _NUM_CORES * _NUM_SUBCORES


@functools.cache
def _make_gather(NB: int, SEQ: int, D: int, CB: int):
    assert NB % _NW == 0
    nb_per_w = NB // _NW
    assert nb_per_w % CB == 0
    n_chunks = nb_per_w // CB
    C = CB * SEQ
    mesh = plsc.VectorSubcoreMesh(core_axis_name="c", subcore_axis_name="s")

    @functools.partial(
        pl.kernel,
        out_type=jax.ShapeDtypeStruct((NB, SEQ, D), jnp.float32),
        mesh=mesh,
        scratch_types=[
            pltpu.VMEM((nb_per_w * SEQ,), jnp.int32),
            pltpu.VMEM((2, C, D), jnp.float32),
            pltpu.SemaphoreType.DMA,
            pltpu.SemaphoreType.DMA,
        ],
        compiler_params=pltpu.CompilerParams(use_tc_tiling_on_sc=False),
    )
    def gather_kernel(idx_hbm, table_hbm, out_hbm, idx_v, rows_v, gsem, osem):
        wid = lax.axis_index("s") * _NUM_CORES + lax.axis_index("c")
        base = wid * nb_per_w
        pltpu.sync_copy(idx_hbm.at[pl.ds(base * SEQ, nb_per_w * SEQ)], idx_v)

        def gather(g, slot):
            return pltpu.make_async_copy(
                table_hbm.at[idx_v.at[pl.ds(g * C, C)]], rows_v.at[slot],
                gsem)

        def store_start(g, slot):
            for k in range(CB):
                pltpu.make_async_copy(
                    rows_v.at[slot].at[pl.ds(k * SEQ, SEQ)],
                    out_hbm.at[base + g * CB + k], osem).start()

        def store_wait(g, slot):
            for k in range(CB):
                pltpu.make_async_copy(
                    rows_v.at[slot].at[pl.ds(k * SEQ, SEQ)],
                    out_hbm.at[base + g * CB + k], osem).wait()

        gather(0, 0).start()

        def body(g, _):
            slot = lax.rem(g, 2)
            nxt = lax.rem(g + 1, 2)

            @pl.when(g >= 1)
            def _():
                store_wait(g - 1, nxt)

            @pl.when(g + 1 < n_chunks)
            def _():
                gather(g + 1, nxt).start()

            gather(g, slot).wait()
            store_start(g, slot)
            return ()

        lax.fori_loop(0, n_chunks, body, (), unroll=False)
        store_wait(n_chunks - 1, lax.rem(n_chunks - 1, 2))

    return gather_kernel


def kernel(table, input_):
    idx = input_.reshape(-1).astype(jnp.int32)
    return _make_gather(input_.shape[0], input_.shape[1], EMB, 16)(idx, table)

# --- scband reference (transcript-rebuilt; emitter-appended) ---
"""Pipeline reference for scband-word-embedding-66614942761160 (READ-ONLY COPY).

The authoritative reference and input builder live on the scoring server;
editing this copy changes nothing except your own understanding.
"""

import jax, jax.numpy as jnp
import numpy as np

VOCAB = 1000000
EMB = 32
PADDING_IDX = 1

def setup_inputs(seed: int = 0) -> dict:
    key = jax.random.key(seed)
    k1, k2 = jax.random.split(key)
    table = jax.random.normal(k1, (VOCAB, EMB), dtype=jnp.float32)
    # emulate torch.nn.Embedding(padding_idx=1): row 1 initialized to zeros
    table = table.at[PADDING_IDX].set(jnp.zeros((EMB,), dtype=jnp.float32))
    indices = jax.random.randint(k2, (16384, 50), 0, VOCAB, dtype=jnp.int64)
    return {"table": table, "input_": indices}

def reference(table, input_):
    # padding_idx semantics: output at padding_idx row does not depend on table params
    table_eff = table.at[PADDING_IDX].set(jnp.zeros_like(table[PADDING_IDX]))
    return jnp.take(table_eff, input_, axis=0)

if __name__ == "__main__":
    import jax
    _d = setup_inputs()
    print(jax.jit(kernel)(*tuple(_d.values())))

</pallas_src>

<mosaic_0001>
#map = affine_map<(d0, d1) -> (0)>
#map1 = affine_map<(d0, d1) -> (0, 0)>
#map2 = affine_map<(d0, d1) -> (0, 0, 0)>
module attributes {stable_mosaic.version = 14 : i64} {
  func.func @gather_kernel(%arg0: i32, %arg1: i32, %arg2: memref<819200xi32, #tpu.memory_space<hbm>>, %arg3: memref<1000000x32xf32, #tpu.memory_space<hbm>>, %arg4: memref<16384x50x32xf32, #tpu.memory_space<hbm>>, %arg5: memref<25600xi32, #tpu.memory_space<vmem>>, %arg6: memref<2x800x32xf32, #tpu.memory_space<vmem>>, %arg7: memref<!tpu.dma_semaphore, #tpu.memory_space<semaphore_mem>>, %arg8: memref<!tpu.dma_semaphore, #tpu.memory_space<semaphore_mem>>) attributes {dimension_semantics = [#tpu.dimension_semantics<core_parallel>, #tpu.dimension_semantics<subcore_parallel>], iteration_bounds = array<i64: 2, 16>, scalar_prefetch = 0 : i64, scratch_operands = 4 : i64, tpu.core_type = #tpu.core_type<sc_vector_subcore>, window_params = [{transform_indices = #map}, {transform_indices = #map1}, {transform_indices = #map2}]} {
    %mul3A = arith.constant 2 : i32
    %mul3A_0 = arith.muli %arg1, %mul3A : i32
    %add3A = arith.addi %mul3A_0, %arg0 : i32
    %mul3A_1 = arith.constant 512 : i32
    %mul3A_2 = arith.muli %add3A, %mul3A_1 : i32
    %mul3A_3 = arith.constant 50 : i32
    %mul3A_4 = arith.muli %mul3A_2, %mul3A_3 : i32
    "tpu.region"() ({
      %run_scoped3A = tpu.sem_alloc : memref<!tpu.dma_semaphore, #tpu.memory_space<semaphore_mem>>
      %dma_start3A_435 = tpu.memref_slice %arg2[%mul3A_4] : memref<819200xi32, #tpu.memory_space<hbm>> -> memref<25600xi32, #tpu.memory_space<hbm>>
      %dma_start3A_436 = tpu.memref_slice %arg2[%mul3A_4] : memref<819200xi32, #tpu.memory_space<hbm>> -> memref<25600xi32, #tpu.memory_space<hbm>>
      tpu.enqueue_dma source(%dma_start3A_436 : memref<25600xi32, #tpu.memory_space<hbm>>) target(%arg5 : memref<25600xi32, #tpu.memory_space<vmem>>) target_semaphore(%run_scoped3A : memref<!tpu.dma_semaphore, #tpu.memory_space<semaphore_mem>>)
      %dma_wait3A_437 = tpu.memref_slice %arg2[%mul3A_4] : memref<819200xi32, #tpu.memory_space<hbm>> -> memref<25600xi32, #tpu.memory_space<hbm>>
      %dma_wait3A_438 = tpu.memref_slice %arg2[%mul3A_4] : memref<819200xi32, #tpu.memory_space<hbm>> -> memref<25600xi32, #tpu.memory_space<hbm>>
      tpu.wait_dma2 semaphore(%run_scoped3A : memref<!tpu.dma_semaphore, #tpu.memory_space<semaphore_mem>>) src(%dma_wait3A_438 : memref<25600xi32, #tpu.memory_space<hbm>>) dst(%arg5 : memref<25600xi32, #tpu.memory_space<vmem>>)
      tpu.yield
    }) : () -> ()
    %dma_start3A = arith.constant 0 : i32
    %dma_start3A_5 = arith.constant 0 : i32
    %dma_start3A_6 = arith.constant 0 : i32
    %dma_start3A_7 = tpu.memref_slice %arg6[%dma_start3A, %dma_start3A_5, %dma_start3A_6] : memref<2x800x32xf32, #tpu.memory_space<vmem>> -> memref<1x800x32xf32, #tpu.memory_space<vmem>>
    %dma_start3A_8 = tpu.memref_squeeze %dma_start3A_7 : memref<1x800x32xf32, #tpu.memory_space<vmem>> -> memref<800x32xf32, #tpu.memory_space<vmem>>
    %dma_start3A_9 = arith.constant 0 : i32
    %dma_start3A_10 = tpu.memref_slice %arg5[%dma_start3A_9] : memref<25600xi32, #tpu.memory_space<vmem>> -> memref<800xi32, #tpu.memory_space<vmem>>
    %dma_start3A_11 = arith.constant 0 : i32
    %dma_start3A_12 = arith.constant 0 : i32
    %dma_start3A_13 = tpu.memref_slice %arg3[%dma_start3A_11, %dma_start3A_12] : memref<1000000x32xf32, #tpu.memory_space<hbm>> -> memref<1000000x32xf32, #tpu.memory_space<hbm>>
    tpu.enqueue_indirect_dma source(%dma_start3A_13 : memref<1000000x32xf32, #tpu.memory_space<hbm>>) target(%dma_start3A_8 : memref<800x32xf32, #tpu.memory_space<vmem>>) offsets(%dma_start3A_10 : memref<800xi32, #tpu.memory_space<vmem>>) semaphore(%arg7 : memref<!tpu.dma_semaphore, #tpu.memory_space<semaphore_mem>>)
    %scan3A = arith.constant 0 : i32
    %scan3A_14 = arith.constant 32 : i32
    %scan3A_15 = arith.addi %scan3A, %scan3A_14 : i32
    %scan3A_16 = arith.constant 1 : i32
    scf.for %scan3A_435 = %scan3A to %scan3A_15 step %scan3A_16  : i32 {
      %rem3A_436 = arith.constant 2 : i32
      %rem3A_437 = arith.remsi %scan3A_435, %rem3A_436 : i32
      %add3A_438 = arith.constant 1 : i32
      %add3A_439 = arith.addi %scan3A_435, %add3A_438 : i32
      %rem3A_440 = arith.constant 2 : i32
      %rem3A_441 = arith.remsi %add3A_439, %rem3A_440 : i32
      %ge3A = arith.constant 1 : i32
      %ge3A_442 = arith.cmpi sge, %scan3A_435, %ge3A : i32
      %convert_element_type3A = arith.extui %ge3A_442 : i1 to i32
      %cond3A = arith.constant 0 : i32
      %cond3A_443 = arith.cmpi ne, %convert_element_type3A, %cond3A : i32
      scf.if %cond3A_443 {
        %sub3A = arith.constant 1 : i32
        %sub3A_892 = arith.subi %scan3A_435, %sub3A : i32
        %mul3A_893 = arith.constant 16 : i32
        %mul3A_894 = arith.muli %sub3A_892, %mul3A_893 : i32
        %add3A_895 = arith.addi %mul3A_2, %mul3A_894 : i32
        %add3A_896 = arith.constant 0 : i32
        %add3A_897 = arith.addi %add3A_895, %add3A_896 : i32
        %dma_wait3A_898 = arith.constant 0 : i32
        %dma_wait3A_899 = arith.constant 0 : i32
        %dma_wait3A_900 = tpu.memref_slice %arg6[%rem3A_441, %dma_wait3A_898, %dma_wait3A_899] : memref<2x800x32xf32, #tpu.memory_space<vmem>> -> memref<1x800x32xf32, #tpu.memory_space<vmem>>
        %dma_wait3A_901 = tpu.memref_squeeze %dma_wait3A_900 : memref<1x800x32xf32, #tpu.memory_space<vmem>> -> memref<800x32xf32, #tpu.memory_space<vmem>>
        %dma_wait3A_902 = arith.constant 0 : i32
        %dma_wait3A_903 = arith.constant 0 : i32
        %dma_wait3A_904 = tpu.memref_slice %dma_wait3A_901[%dma_wait3A_902, %dma_wait3A_903] : memref<800x32xf32, #tpu.memory_space<vmem>> -> memref<50x32xf32, #tpu.memory_space<vmem>>
        %dma_wait3A_905 = arith.constant 0 : i32
        %dma_wait3A_906 = arith.constant 0 : i32
        %dma_wait3A_907 = tpu.memref_slice %arg4[%add3A_897, %dma_wait3A_905, %dma_wait3A_906] : memref<16384x50x32xf32, #tpu.memory_space<hbm>> -> memref<1x50x32xf32, #tpu.memory_space<hbm>>
        %dma_wait3A_908 = tpu.memref_squeeze %dma_wait3A_907 : memref<1x50x32xf32, #tpu.memory_space<hbm>> -> memref<50x32xf32, #tpu.memory_space<hbm>>
        %dma_wait3A_909 = arith.constant 0 : i32
        %dma_wait3A_910 = arith.constant 0 : i32
        %dma_wait3A_911 = tpu.memref_slice %arg4[%add3A_897, %dma_wait3A_909, %dma_wait3A_910] : memref<16384x50x32xf32, #tpu.memory_space<hbm>> -> memref<1x50x32xf32, #tpu.memory_space<hbm>>
        %dma_wait3A_912 = tpu.memref_squeeze %dma_wait3A_911 : memref<1x50x32xf32, #tpu.memory_space<hbm>> -> memref<50x32xf32, #tpu.memory_space<hbm>>
        %dma_wait3A_913 = arith.constant 0 : i32
        %dma_wait3A_914 = arith.constant 0 : i32
        %dma_wait3A_915 = tpu.memref_slice %arg6[%rem3A_441, %dma_wait3A_913, %dma_wait3A_914] : memref<2x800x32xf32, #tpu.memory_space<vmem>> -> memref<1x800x32xf32, #tpu.memory_space<vmem>>
        %dma_wait3A_916 = tpu.memref_squeeze %dma_wait3A_915 : memref<1x800x32xf32, #tpu.memory_space<vmem>> -> memref<800x32xf32, #tpu.memory_space<vmem>>
        %dma_wait3A_917 = arith.constant 0 : i32
        %dma_wait3A_918 = arith.constant 0 : i32
        %dma_wait3A_919 = tpu.memref_slice %dma_wait3A_916[%dma_wait3A_917, %dma_wait3A_918] : memref<800x32xf32, #tpu.memory_space<vmem>> -> memref<50x32xf32, #tpu.memory_space<vmem>>
        tpu.wait_dma2 semaphore(%arg8 : memref<!tpu.dma_semaphore, #tpu.memory_space<semaphore_mem>>) src(%dma_wait3A_919 : memref<50x32xf32, #tpu.memory_space<vmem>>) dst(%dma_wait3A_912 : memref<50x32xf32, #tpu.memory_space<hbm>>)
        %mul3A_920 = arith.constant 16 : i32
        %mul3A_921 = arith.muli %sub3A_892, %mul3A_920 : i32
        %add3A_922 = arith.addi %mul3A_2, %mul3A_921 : i32
        %add3A_923 = arith.constant 1 : i32
        %add3A_924 = arith.addi %add3A_922, %add3A_923 : i32
        %dma_wait3A_925 = arith.constant 0 : i32
        %dma_wait3A_926 = arith.constant 0 : i32
        %dma_wait3A_927 = tpu.memref_slice %arg6[%rem3A_441, %dma_wait3A_925, %dma_wait3A_926] : memref<2x800x32xf32, #tpu.memory_space<vmem>> -> memref<1x800x32xf32, #tpu.memory_space<vmem>>
        %dma_wait3A_928 = tpu.memref_squeeze %dma_wait3A_927 : memref<1x800x32xf32, #tpu.memory_space<vmem>> -> memref<800x32xf32, #tpu.memory_space<vmem>>
        %dma_wait3A_929 = arith.constant 50 : i32
        %dma_wait3A_930 = arith.constant 0 : i32
        %dma_wait3A_931 = tpu.memref_slice %dma_wait3A_928[%dma_wait3A_929, %dma_wait3A_930] : memref<800x32xf32, #tpu.memory_space<vmem>> -> memref<50x32xf32, #tpu.memory_space<vmem>>
        %dma_wait3A_932 = arith.constant 0 : i32
        %dma_wait3A_933 = arith.constant 0 : i32
        %dma_wait3A_934 = tpu.memref_slice %arg4[%add3A_924, %dma_wait3A_932, %dma_wait3A_933] : memref<16384x50x32xf32, #tpu.memory_space<hbm>> -> memref<1x50x32xf32, #tpu.memory_space<hbm>>
        %dma_wait3A_935 = tpu.memref_squeeze %dma_wait3A_934 : memref<1x50x32xf32, #tpu.memory_space<hbm>> -> memref<50x32xf32, #tpu.memory_space<hbm>>
        %dma_wait3A_936 = arith.constant 0 : i32
        %dma_wait3A_937 = arith.constant 0 : i32
        %dma_wait3A_938 = tpu.memref_slice %arg4[%add3A_924, %dma_wait3A_936, %dma_wait3A_937] : memref<16384x50x32xf32, #tpu.memory_space<hbm>> -> memref<1x50x32xf32, #tpu.memory_space<hbm>>
        %dma_wait3A_939 = tpu.memref_squeeze %dma_wait3A_938 : memref<1x50x32xf32, #tpu.memory_space<hbm>> -> memref<50x32xf32, #tpu.memory_space<hbm>>
        %dma_wait3A_940 = arith.constant 0 : i32
        %dma_wait3A_941 = arith.constant 0 : i32
        %dma_wait3A_942 = tpu.memref_slice %arg6[%rem3A_441, %dma_wait3A_940, %dma_wait3A_941] : memref<2x800x32xf32, #tpu.memory_space<vmem>> -> memref<1x800x32xf32, #tpu.memory_space<vmem>>
        %dma_wait3A_943 = tpu.memref_squeeze %dma_wait3A_942 : memref<1x800x32xf32, #tpu.memory_space<vmem>> -> memref<800x32xf32, #tpu.memory_space<vmem>>
        %dma_wait3A_944 = arith.constant 50 : i32
        %dma_wait3A_945 = arith.constant 0 : i32
        %dma_wait3A_946 = tpu.memref_slice %dma_wait3A_943[%dma_wait3A_944, %dma_wait3A_945] : memref<800x32xf32, #tpu.memory_space<vmem>> -> memref<50x32xf32, #tpu.memory_space<vmem>>
        tpu.wait_dma2 semaphore(%arg8 : memref<!tpu.dma_semaphore, #tpu.memory_space<semaphore_mem>>) src(%dma_wait3A_946 : memref<50x32xf32, #tpu.memory_space<vmem>>) dst(%dma_wait3A_939 : memref<50x32xf32, #tpu.memory_space<hbm>>)
        %mul3A_947 = arith.constant 16 : i32
        %mul3A_948 = arith.muli %sub3A_892, %mul3A_947 : i32
        %add3A_949 = arith.addi %mul3A_2, %mul3A_948 : i32
        %add3A_950 = arith.constant 2 : i32
        %add3A_951 = arith.addi %add3A_949, %add3A_950 : i32
        %dma_wait3A_952 = arith.constant 0 : i32
        %dma_wait3A_953 = arith.constant 0 : i32
        %dma_wait3A_954 = tpu.memref_slice %arg6[%rem3A_441, %dma_wait3A_952, %dma_wait3A_953] : memref<2x800x32xf32, #tpu.memory_space<vmem>> -> memref<1x800x32xf32, #tpu.memory_space<vmem>>
        %dma_wait3A_955 = tpu.memref_squeeze %dma_wait3A_954 : memref<1x800x32xf32, #tpu.memory_space<vmem>> -> memref<800x32xf32, #tpu.memory_space<vmem>>
        %dma_wait3A_956 = arith.constant 100 : i32
        %dma_wait3A_957 = arith.constant 0 : i32
        %dma_wait3A_958 = tpu.memref_slice %dma_wait3A_955[%dma_wait3A_956, %dma_wait3A_957] : memref<800x32xf32, #tpu.memory_space<vmem>> -> memref<50x32xf32, #tpu.memory_space<vmem>>
        %dma_wait3A_959 = arith.constant 0 : i32
        %dma_wait3A_960 = arith.constant 0 : i32
        %dma_wait3A_961 = tpu.memref_slice %arg4[%add3A_951, %dma_wait3A_959, %dma_wait3A_960] : memref<16384x50x32xf32, #tpu.memory_space<hbm>> -> memref<1x50x32xf32, #tpu.memory_space<hbm>>
        %dma_wait3A_962 = tpu.memref_squeeze %dma_wait3A_961 : memref<1x50x32xf32, #tpu.memory_space<hbm>> -> memref<50x32xf32, #tpu.memory_space<hbm>>
        %dma_wait3A_963 = arith.constant 0 : i32
        %dma_wait3A_964 = arith.constant 0 : i32
        %dma_wait3A_965 = tpu.memref_slice %arg4[%add3A_951, %dma_wait3A_963, %dma_wait3A_964] : memref<16384x50x32xf32, #tpu.memory_space<hbm>> -> memref<1x50x32xf32, #tpu.memory_space<hbm>>
        %dma_wait3A_966 = tpu.memref_squeeze %dma_wait3A_965 : memref<1x50x32xf32, #tpu.memory_space<hbm>> -> memref<50x32xf32, #tpu.memory_space<hbm>>
        %dma_wait3A_967 = arith.constant 0 : i32
        %dma_wait3A_968 = arith.constant 0 : i32
        %dma_wait3A_969 = tpu.memref_slice %arg6[%rem3A_441, %dma_wait3A_967, %dma_wait3A_968] : memref<2x800x32xf32, #tpu.memory_space<vmem>> -> memref<1x800x32xf32, #tpu.memory_space<vmem>>
        %dma_wait3A_970 = tpu.memref_squeeze %dma_wait3A_969 : memref<1x800x32xf32, #tpu.memory_space<vmem>> -> memref<800x32xf32, #tpu.memory_space<vmem>>
        %dma_wait3A_971 = arith.constant 100 : i32
        %dma_wait3A_972 = arith.constant 0 : i32
        %dma_wait3A_973 = tpu.memref_slice %dma_wait3A_970[%dma_wait3A_971, %dma_wait3A_972] : memref<800x32xf32, #tpu.memory_space<vmem>> -> memref<50x32xf32, #tpu.memory_space<vmem>>
        tpu.wait_dma2 semaphore(%arg8 : memref<!tpu.dma_semaphore, #tpu.memory_space<semaphore_mem>>) src(%dma_wait3A_973 : memref<50x32xf32, #tpu.memory_space<vmem>>) dst(%dma_wait3A_966 : memref<50x32xf32, #tpu.memory_space<hbm>>)
        %mul3A_974 = arith.constant 16 : i32
        %mul3A_975 = arith.muli %sub3A_892, %mul3A_974 : i32
        %add3A_976 = arith.addi %mul3A_2, %mul3A_975 : i32
        %add3A_977 = arith.constant 3 : i32
        %add3A_978 = arith.addi %add3A_976, %add3A_977 : i32
        %dma_wait3A_979 = arith.constant 0 : i32
        %dma_wait3A_980 = arith.constant 0 : i32
        %dma_wait3A_981 = tpu.memref_slice %arg6[%rem3A_441, %dma_wait3A_979, %dma_wait3A_980] : memref<2x800x32xf32, #tpu.memory_space<vmem>> -> memref<1x800x32xf32, #tpu.memory_space<vmem>>
        %dma_wait3A_982 = tpu.memref_squeeze %dma_wait3A_981 : memref<1x800x32xf32, #tpu.memory_space<vmem>> -> memref<800x32xf32, #tpu.memory_space<vmem>>
        %dma_wait3A_983 = arith.constant 150 : i32
        %dma_wait3A_984 = arith.constant 0 : i32
        %dma_wait3A_985 = tpu.memref_slice %dma_wait3A_982[%dma_wait3A_983, %dma_wait3A_984] : memref<800x32xf32, #tpu.memory_space<vmem>> -> memref<50x32xf32, #tpu.memory_space<vmem>>
        %dma_wait3A_986 = arith.constant 0 : i32
        %dma_wait3A_987 = arith.constant 0 : i32
        %dma_wait3A_988 = tpu.memref_slice %arg4[%add3A_978, %dma_wait3A_986, %dma_wait3A_987] : memref<16384x50x32xf32, #tpu.memory_space<hbm>> -> memref<1x50x32xf32, #tpu.memory_space<hbm>>
        %dma_wait3A_989 = tpu.memref_squeeze %dma_wait3A_988 : memref<1x50x32xf32, #tpu.memory_space<hbm>> -> memref<50x32xf32, #tpu.memory_space<hbm>>
        %dma_wait3A_990 = arith.constant 0 : i32
        %dma_wait3A_991 = arith.constant 0 : i32
        %dma_wait3A_992 = tpu.memref_slice %arg4[%add3A_978, %dma_wait3A_990, %dma_wait3A_991] : memref<16384x50x32xf32, #tpu.memory_space<hbm>> -> memref<1x50x32xf32, #tpu.memory_space<hbm>>
        %dma_wait3A_993 = tpu.memref_squeeze %dma_wait3A_992 : memref<1x50x32xf32, #tpu.memory_space<hbm>> -> memref<50x32xf32, #tpu.memory_space<hbm>>
        %dma_wait3A_994 = arith.constant 0 : i32
        %dma_wait3A_995 = arith.constant 0 : i32
        %dma_wait3A_996 = tpu.memref_slice %arg6[%rem3A_441, %dma_wait3A_994, %dma_wait3A_995] : memref<2x800x32xf32, #tpu.memory_space<vmem>> -> memref<1x800x32xf32, #tpu.memory_space<vmem>>
        %dma_wait3A_997 = tpu.memref_squeeze %dma_wait3A_996 : memref<1x800x32xf32, #tpu.memory_space<vmem>> -> memref<800x32xf32, #tpu.memory_space<vmem>>
        %dma_wait3A_998 = arith.constant 150 : i32
        %dma_wait3A_999 = arith.constant 0 : i32
        %dma_wait3A_1000 = tpu.memref_slice %dma_wait3A_997[%dma_wait3A_998, %dma_wait3A_999] : memref<800x32xf32, #tpu.memory_space<vmem>> -> memref<50x32xf32, #tpu.memory_space<vmem>>
        tpu.wait_dma2 semaphore(%arg8 : memref<!tpu.dma_semaphore, #tpu.memory_space<semaphore_mem>>) src(%dma_wait3A_1000 : memref<50x32xf32, #tpu.memory_space<vmem>>) dst(%dma_wait3A_993 : memref<50x32xf32, #tpu.memory_space<hbm>>)
        %mul3A_1001 = arith.constant 16 : i32
        %mul3A_1002 = arith.muli %sub3A_892, %mul3A_1001 : i32
        %add3A_1003 = arith.addi %mul3A_2, %mul3A_1002 : i32
        %add3A_1004 = arith.constant 4 : i32
        %add3A_1005 = arith.addi %add3A_1003, %add3A_1004 : i32
        %dma_wait3A_1006 = arith.constant 0 : i32
        %dma_wait3A_1007 = arith.constant 0 : i32
        %dma_wait3A_1008 = tpu.memref_slice %arg6[%rem3A_441, %dma_wait3A_1006, %dma_wait3A_1007] : memref<2x800x32xf32, #tpu.memory_space<vmem>> -> memref<1x800x32xf32, #tpu.memory_space<vmem>>
        %dma_wait3A_1009 = tpu.memref_squeeze %dma_wait3A_1008 : memref<1x800x32xf32, #tpu.memory_space<vmem>> -> memref<800x32xf32, #tpu.memory_space<vmem>>
        %dma_wait3A_1010 = arith.constant 200 : i32
        %dma_wait3A_1011 = arith.constant 0 : i32
        %dma_wait3A_1012 = tpu.memref_slice %dma_wait3A_1009[%dma_wait3A_1010, %dma_wait3A_1011] : memref<800x32xf32, #tpu.memory_space<vmem>> -> memref<50x32xf32, #tpu.memory_space<vmem>>
        %dma_wait3A_1013 = arith.constant 0 : i32
        %dma_wait3A_1014 = arith.constant 0 : i32
        %dma_wait3A_1015 = tpu.memref_slice %arg4[%add3A_1005, %dma_wait3A_1013, %dma_wait3A_1014] : memref<16384x50x32xf32, #tpu.memory_space<hbm>> -> memref<1x50x32xf32, #tpu.memory_space<hbm>>
        %dma_wait3A_1016 = tpu.memref_squeeze %dma_wait3A_1015 : memref<1x50x32xf32, #tpu.memory_space<hbm>> -> memref<50x32xf32, #tpu.memory_space<hbm>>
        %dma_wait3A_1017 = arith.constant 0 : i32
        %dma_wait3A_1018 = arith.constant 0 : i32
        %dma_wait3A_1019 = tpu.memref_slice %arg4[%add3A_1005, %dma_wait3A_1017, %dma_wait3A_1018] : memref<16384x50x32xf32, #tpu.memory_space<hbm>> -> memref<1x50x32xf32, #tpu.memory_space<hbm>>
        %dma_wait3A_1020 = tpu.memref_squeeze %dma_wait3A_1019 : memref<1x50x32xf32, #tpu.memory_space<hbm>> -> memref<50x32xf32, #tpu.memory_space<hbm>>
        %dma_wait3A_1021 = arith.constant 0 : i32
        %dma_wait3A_1022 = arith.constant 0 : i32
        %dma_wait3A_1023 = tpu.memref_slice %arg6[%rem3A_441, %dma_wait3A_1021, %dma_wait3A_1022] : memref<2x800x32xf32, #tpu.memory_space<vmem>> -> memref<1x800x32xf32, #tpu.memory_space<vmem>>
        %dma_wait3A_1024 = tpu.memref_squeeze %dma_wait3A_1023 : memref<1x800x32xf32, #tpu.memory_space<vmem>> -> memref<800x32xf32, #tpu.memory_space<vmem>>
        %dma_wait3A_1025 = arith.constant 200 : i32
        %dma_wait3A_1026 = arith.constant 0 : i32
        %dma_wait3A_1027 = tpu.memref_slice %dma_wait3A_1024[%dma_wait3A_1025, %dma_wait3A_1026] : memref<800x32xf32, #tpu.memory_space<vmem>> -> memref<50x32xf32, #tpu.memory_space<vmem>>
        tpu.wait_dma2 semaphore(%arg8 : memref<!tpu.dma_semaphore, #tpu.memory_space<semaphore_mem>>) src(%dma_wait3A_1027 : memref<50x32xf32, #tpu.memory_space<vmem>>) dst(%dma_wait3A_1020 : memref<50x32xf32, #tpu.memory_space<hbm>>)
        %mul3A_1028 = arith.constant 16 : i32
        %mul3A_1029 = arith.muli %sub3A_892, %mul3A_1028 : i32
        %add3A_1030 = arith.addi %mul3A_2, %mul3A_1029 : i32
        %add3A_1031 = arith.constant 5 : i32
        %add3A_1032 = arith.addi %add3A_1030, %add3A_1031 : i32
        %dma_wait3A_1033 = arith.constant 0 : i32
        %dma_wait3A_1034 = arith.constant 0 : i32
        %dma_wait3A_1035 = tpu.memref_slice %arg6[%rem3A_441, %dma_wait3A_1033, %dma_wait3A_1034] : memref<2x800x32xf32, #tpu.memory_space<vmem>> -> memref<1x800x32xf32, #tpu.memory_space<vmem>>
        %dma_wait3A_1036 = tpu.memref_squeeze %dma_wait3A_1035 : memref<1x800x32xf32, #tpu.memory_space<vmem>> -> memref<800x32xf32, #tpu.memory_space<vmem>>
        %dma_wait3A_1037 = arith.constant 250 : i32
        %dma_wait3A_1038 = arith.constant 0 : i32
        %dma_wait3A_1039 = tpu.memref_slice %dma_wait3A_1036[%dma_wait3A_1037, %dma_wait3A_1038] : memref<800x32xf32, #tpu.memory_space<vmem>> -> memref<50x32xf32, #tpu.memory_space<vmem>>
        %dma_wait3A_1040 = arith.constant 0 : i32
        %dma_wait3A_1041 = arith.constant 0 : i32
        %dma_wait3A_1042 = tpu.memref_slice %arg4[%add3A_1032, %dma_wait3A_1040, %dma_wait3A_1041] : memref<16384x50x32xf32, #tpu.memory_space<hbm>> -> memref<1x50x32xf32, #tpu.memory_space<hbm>>
        %dma_wait3A_1043 = tpu.memref_squeeze %dma_wait3A_1042 : memref<1x50x32xf32, #tpu.memory_space<hbm>> -> memref<50x32xf32, #tpu.memory_space<hbm>>
        %dma_wait3A_1044 = arith.constant 0 : i32
        %dma_wait3A_1045 = arith.constant 0 : i32
        %dma_wait3A_1046 = tpu.memref_slice %arg4[%add3A_1032, %dma_wait3A_1044, %dma_wait3A_1045] : memref<16384x50x32xf32, #tpu.memory_space<hbm>> -> memref<1x50x32xf32, #tpu.memory_space<hbm>>
        %dma_wait3A_1047 = tpu.memref_squeeze %dma_wait3A_1046 : memref<1x50x32xf32, #tpu.memory_space<hbm>> -> memref<50x32xf32, #tpu.memory_space<hbm>>
        %dma_wait3A_1048 = arith.constant 0 : i32
        %dma_wait3A_1049 = arith.constant 0 : i32
        %dma_wait3A_1050 = tpu.memref_slice %arg6[%rem3A_441, %dma_wait3A_1048, %dma_wait3A_1049] : memref<2x800x32xf32, #tpu.memory_space<vmem>> -> memref<1x800x32xf32, #tpu.memory_space<vmem>>
        %dma_wait3A_1051 = tpu.memref_squeeze %dma_wait3A_1050 : memref<1x800x32xf32, #tpu.memory_space<vmem>> -> memref<800x32xf32, #tpu.memory_space<vmem>>
        %dma_wait3A_1052 = arith.constant 250 : i32
        %dma_wait3A_1053 = arith.constant 0 : i32
        %dma_wait3A_1054 = tpu.memref_slice %dma_wait3A_1051[%dma_wait3A_1052, %dma_wait3A_1053] : memref<800x32xf32, #tpu.memory_space<vmem>> -> memref<50x32xf32, #tpu.memory_space<vmem>>
        tpu.wait_dma2 semaphore(%arg8 : memref<!tpu.dma_semaphore, #tpu.memory_space<semaphore_mem>>) src(%dma_wait3A_1054 : memref<50x32xf32, #tpu.memory_space<vmem>>) dst(%dma_wait3A_1047 : memref<50x32xf32, #tpu.memory_space<hbm>>)
        %mul3A_1055 = arith.constant 16 : i32
        %mul3A_1056 = arith.muli %sub3A_892, %mul3A_1055 : i32
        %add3A_1057 = arith.addi %mul3A_2, %mul3A_1056 : i32
        %add3A_1058 = arith.constant 6 : i32
        %add3A_1059 = arith.addi %add3A_1057, %add3A_1058 : i32
        %dma_wait3A_1060 = arith.constant 0 : i32
        %dma_wait3A_1061 = arith.constant 0 : i32
        %dma_wait3A_1062 = tpu.memref_slice %arg6[%rem3A_441, %dma_wait3A_1060, %dma_wait3A_1061] : memref<2x800x32xf32, #tpu.memory_space<vmem>> -> memref<1x800x32xf32, #tpu.memory_space<vmem>>
        %dma_wait3A_1063 = tpu.memref_squeeze %dma_wait3A_1062 : memref<1x800x32xf32, #tpu.memory_space<vmem>> -> memref<800x32xf32, #tpu.memory_space<vmem>>
        %dma_wait3A_1064 = arith.constant 300 : i32
        %dma_wait3A_1065 = arith.constant 0 : i32
        %dma_wait3A_1066 = tpu.memref_slice %dma_wait3A_1063[%dma_wait3A_1064, %dma_wait3A_1065] : memref<800x32xf32, #tpu.memory_space<vmem>> -> memref<50x32xf32, #tpu.memory_space<vmem>>
        %dma_wait3A_1067 = arith.constant 0 : i32
        %dma_wait3A_1068 = arith.constant 0 : i32
        %dma_wait3A_1069 = tpu.memref_slice %arg4[%add3A_1059, %dma_wait3A_1067, %dma_wait3A_1068] : memref<16384x50x32xf32, #tpu.memory_space<hbm>> -> memref<1x50x32xf32, #tpu.memory_space<hbm>>
        %dma_wait3A_1070 = tpu.memref_squeeze %dma_wait3A_1069 : memref<1x50x32xf32, #tpu.memory_space<hbm>> -> memref<50x32xf32, #tpu.memory_space<hbm>>
        %dma_wait3A_1071 = arith.constant 0 : i32
        %dma_wait3A_1072 = arith.constant 0 : i32
        %dma_wait3A_1073 = tpu.memref_slice %arg4[%add3A_1059, %dma_wait3A_1071, %dma_wait3A_1072] : memref<16384x50x32xf32, #tpu.memory_space<hbm>> -> memref<1x50x32xf32, #tpu.memory_space<hbm>>
        %dma_wait3A_1074 = tpu.memref_squeeze %dma_wait3A_1073 : memref<1x50x32xf32, #tpu.memory_space<hbm>> -> memref<50x32xf32, #tpu.memory_space<hbm>>
        %dma_wait3A_1075 = arith.constant 0 : i32
        %dma_wait3A_1076 = arith.constant 0 : i32
        %dma_wait3A_1077 = tpu.memref_slice %arg6[%rem3A_441, %dma_wait3A_1075, %dma_wait3A_1076] : memref<2x800x32xf32, #tpu.memory_space<vmem>> -> memref<1x800x32xf32, #tpu.memory_space<vmem>>
        %dma_wait3A_1078 = tpu.memref_squeeze %dma_wait3A_1077 : memref<1x800x32xf32, #tpu.memory_space<vmem>> -> memref<800x32xf32, #tpu.memory_space<vmem>>
        %dma_wait3A_1079 = arith.constant 300 : i32
        %dma_wait3A_1080 = arith.constant 0 : i32
        %dma_wait3A_1081 = tpu.memref_slice %dma_wait3A_1078[%dma_wait3A_1079, %dma_wait3A_1080] : memref<800x32xf32, #tpu.memory_space<vmem>> -> memref<50x32xf32, #tpu.memory_space<vmem>>
        tpu.wait_dma2 semaphore(%arg8 : memref<!tpu.dma_semaphore, #tpu.memory_space<semaphore_mem>>) src(%dma_wait3A_1081 : memref<50x32xf32, #tpu.memory_space<vmem>>) dst(%dma_wait3A_1074 : memref<50x32xf32, #tpu.memory_space<hbm>>)
        %mul3A_1082 = arith.constant 16 : i32
        %mul3A_1083 = arith.muli %sub3A_892, %mul3A_1082 : i32
        %add3A_1084 = arith.addi %mul3A_2, %mul3A_1083 : i32
        %add3A_1085 = arith.constant 7 : i32
        %add3A_1086 = arith.addi %add3A_1084, %add3A_1085 : i32
        %dma_wait3A_1087 = arith.constant 0 : i32
        %dma_wait3A_1088 = arith.constant 0 : i32
        %dma_wait3A_1089 = tpu.memref_slice %arg6[%rem3A_441, %dma_wait3A_1087, %dma_wait3A_1088] : memref<2x800x32xf32, #tpu.memory_space<vmem>> -> memref<1x800x32xf32, #tpu.memory_space<vmem>>
        %dma_wait3A_1090 = tpu.memref_squeeze %dma_wait3A_1089 : memref<1x800x32xf32, #tpu.memory_space<vmem>> -> memref<800x32xf32, #tpu.memory_space<vmem>>
        %dma_wait3A_1091 = arith.constant 350 : i32
        %dma_wait3A_1092 = arith.constant 0 : i32
        %dma_wait3A_1093 = tpu.memref_slice %dma_wait3A_1090[%dma_wait3A_1091, %dma_wait3A_1092] : memref<800x32xf32, #tpu.memory_space<vmem>> -> memref<50x32xf32, #tpu.memory_space<vmem>>
        %dma_wait3A_1094 = arith.constant 0 : i32
        %dma_wait3A_1095 = arith.constant 0 : i32
        %dma_wait3A_1096 = tpu.memref_slice %arg4[%add3A_1086, %dma_wait3A_1094, %dma_wait3A_1095] : memref<16384x50x32xf32, #tpu.memory_space<hbm>> -> memref<1x50x32xf32, #tpu.memory_space<hbm>>
        %dma_wait3A_1097 = tpu.memref_squeeze %dma_wait3A_1096 : memref<1x50x32xf32, #tpu.memory_space<hbm>> -> memref<50x32xf32, #tpu.memory_space<hbm>>
        %dma_wait3A_1098 = arith.constant 0 : i32
        %dma_wait3A_1099 = arith.constant 0 : i32
        %dma_wait3A_1100 = tpu.memref_slice %arg4[%add3A_1086, %dma_wait3A_1098, %dma_wait3A_1099] : memref<16384x50x32xf32, #tpu.memory_space<hbm>> -> memref<1x50x32xf32, #tpu.memory_space<hbm>>
        %dma_wait3A_1101 = tpu.memref_squeeze %dma_wait3A_1100 : memref<1x50x32xf32, #tpu.memory_space<hbm>> -> memref<50x32xf32, #tpu.memory_space<hbm>>
        %dma_wait3A_1102 = arith.constant 0 : i32
        %dma_wait3A_1103 = arith.constant 0 : i32
        %dma_wait3A_1104 = tpu.memref_slice %arg6[%rem3A_441, %dma_wait3A_1102, %dma_wait3A_1103] : memref<2x800x32xf32, #tpu.memory_space<vmem>> -> memref<1x800x32xf32, #tpu.memory_space<vmem>>
        %dma_wait3A_1105 = tpu.memref_squeeze %dma_wait3A_1104 : memref<1x800x32xf32, #tpu.memory_space<vmem>> -> memref<800x32xf32, #tpu.memory_space<vmem>>
        %dma_wait3A_1106 = arith.constant 350 : i32
        %dma_wait3A_1107 = arith.constant 0 : i32
        %dma_wait3A_1108 = tpu.memref_slice %dma_wait3A_1105[%dma_wait3A_1106, %dma_wait3A_1107] : memref<800x32xf32, #tpu.memory_space<vmem>> -> memref<50x32xf32, #tpu.memory_space<vmem>>
        tpu.wait_dma2 semaphore(%arg8 : memref<!tpu.dma_semaphore, #tpu.memory_space<semaphore_mem>>) src(%dma_wait3A_1108 : memref<50x32xf32, #tpu.memory_space<vmem>>) dst(%dma_wait3A_1101 : memref<50x32xf32, #tpu.memory_space<hbm>>)
        %mul3A_1109 = arith.constant 16 : i32
        %mul3A_1110 = arith.muli %sub3A_892, %mul3A_1109 : i32
        %add3A_1111 = arith.addi %mul3A_2, %mul3A_1110 : i32
        %add3A_1112 = arith.constant 8 : i32
        %add3A_1113 = arith.addi %add3A_1111, %add3A_1112 : i32
        %dma_wait3A_1114 = arith.constant 0 : i32
        %dma_wait3A_1115 = arith.constant 0 : i32
        %dma_wait3A_1116 = tpu.memref_slice %arg6[%rem3A_441, %dma_wait3A_1114, %dma_wait3A_1115] : memref<2x800x32xf32, #tpu.memory_space<vmem>> -> memref<1x800x32xf32, #tpu.memory_space<vmem>>
        %dma_wait3A_1117 = tpu.memref_squeeze %dma_wait3A_1116 : memref<1x800x32xf32, #tpu.memory_space<vmem>> -> memref<800x32xf32, #tpu.memory_space<vmem>>
        %dma_wait3A_1118 = arith.constant 400 : i32
        %dma_wait3A_1119 = arith.constant 0 : i32
        %dma_wait3A_1120 = tpu.memref_slice %dma_wait3A_1117[%dma_wait3A_1118, %dma_wait3A_1119] : memref<800x32xf32, #tpu.memory_space<vmem>> -> memref<50x32xf32, #tpu.memory_space<vmem>>
        %dma_wait3A_1121 = arith.constant 0 : i32
        %dma_wait3A_1122 = arith.constant 0 : i32
        %dma_wait3A_1123 = tpu.memref_slice %arg4[%add3A_1113, %dma_wait3A_1121, %dma_wait3A_1122] : memref<16384x50x32xf32, #tpu.memory_space<hbm>> -> memref<1x50x32xf32, #tpu.memory_space<hbm>>
        %dma_wait3A_1124 = tpu.memref_squeeze %dma_wait3A_1123 : memref<1x50x32xf32, #tpu.memory_space<hbm>> -> memref<50x32xf32, #tpu.memory_space<hbm>>
        %dma_wait3A_1125 = arith.constant 0 : i32
        %dma_wait3A_1126 = arith.constant 0 : i32
        %dma_wait3A_1127 = tpu.memref_slice %arg4[%add3A_1113, %dma_wait3A_1125, %dma_wait3A_1126] : memref<16384x50x32xf32, #tpu.memory_space<hbm>> -> memref<1x50x32xf32, #tpu.memory_space<hbm>>
        %dma_wait3A_1128 = tpu.memref_squeeze %dma_wait3A_1127 : memref<1x50x32xf32, #tpu.memory_space<hbm>> -> memref<50x32xf32, #tpu.memory_space<hbm>>
        %dma_wait3A_1129 = arith.constant 0 : i32
        %dma_wait3A_1130 = arith.constant 0 : i32
        %dma_wait3A_1131 = tpu.memref_slice %arg6[%rem3A_441, %dma_wait3A_1129, %dma_wait3A_1130] : memref<2x800x32xf32, #tpu.memory_space<vmem>> -> memref<1x800x32xf32, #tpu.memory_space<vmem>>
        %dma_wait3A_1132 = tpu.memref_squeeze %dma_wait3A_1131 : memref<1x800x32xf32, #tpu.memory_space<vmem>> -> memref<800x32xf32, #tpu.memory_space<vmem>>
        %dma_wait3A_1133 = arith.constant 400 : i32
        %dma_wait3A_1134 = arith.constant 0 : i32
        %dma_wait3A_1135 = tpu.memref_slice %dma_wait3A_1132[%dma_wait3A_1133, %dma_wait3A_1134] : memref<800x32xf32, #tpu.memory_space<vmem>> -> memref<50x32xf32, #tpu.memory_space<vmem>>
        tpu.wait_dma2 semaphore(%arg8 : memref<!tpu.dma_semaphore, #tpu.memory_space<semaphore_mem>>) src(%dma_wait3A_1135 : memref<50x32xf32, #tpu.memory_space<vmem>>) dst(%dma_wait3A_1128 : memref<50x32xf32, #tpu.memory_space<hbm>>)
        %mul3A_1136 = arith.constant 16 : i32
        %mul3A_1137 = arith.muli %sub3A_892, %mul3A_1136 : i32
        %add3A_1138 = arith.addi %mul3A_2, %mul3A_1137 : i32
        %add3A_1139 = arith.constant 9 : i32
        %add3A_1140 = arith.addi %add3A_1138, %add3A_1139 : i32
        %dma_wait3A_1141 = arith.constant 0 : i32
        %dma_wait3A_1142 = arith.constant 0 : i32
        %dma_wait3A_1143 = tpu.memref_slice %arg6[%rem3A_441, %dma_wait3A_1141, %dma_wait3A_1142] : memref<2x800x32xf32, #tpu.memory_space<vmem>> -> memref<1x800x32xf32, #tpu.memory_space<vmem>>
        %dma_wait3A_1144 = tpu.memref_squeeze %dma_wait3A_1143 : memref<1x800x32xf32, #tpu.memory_space<vmem>> -> memref<800x32xf32, #tpu.memory_space<vmem>>
        %dma_wait3A_1145 = arith.constant 450 : i32
        %dma_wait3A_1146 = arith.constant 0 : i32
        %dma_wait3A_1147 = tpu.memref_slice %dma_wait3A_1144[%dma_wait3A_1145, %dma_wait3A_1146] : memref<800x32xf32, #tpu.memory_space<vmem>> -> memref<50x32xf32, #tpu.memory_space<vmem>>
        %dma_wait3A_1148 = arith.constant 0 : i32
        %dma_wait3A_1149 = arith.constant 0 : i32
        %dma_wait3A_1150 = tpu.memref_slice %arg4[%add3A_1140, %dma_wait3A_1148, %dma_wait3A_1149] : memref<16384x50x32xf32, #tpu.memory_space<hbm>> -> memref<1x50x32xf32, #tpu.memory_space<hbm>>
        %dma_wait3A_1151 = tpu.memref_squeeze %dma_wait3A_1150 : memref<1x50x32xf32, #tpu.memory_space<hbm>> -> memref<50x32xf32, #tpu.memory_space<hbm>>
        %dma_wait3A_1152 = arith.constant 0 : i32
        %dma_wait3A_1153 = arith.constant 0 : i32
        %dma_wait3A_1154 = tpu.memref_slice %arg4[%add3A_1140, %dma_wait3A_1152, %dma_wait3A_1153] : memref<16384x50x32xf32, #tpu.memory_space<hbm>> -> memref<1x50x32xf32, #tpu.memory_space<hbm>>
        %dma_wait3A_1155 = tpu.memref_squeeze %dma_wait3A_1154 : memref<1x50x32xf32, #tpu.memory_space<hbm>> -> memref<50x32xf32, #tpu.memory_space<hbm>>
        %dma_wait3A_1156 = arith.constant 0 : i32
        %dma_wait3A_1157 = arith.constant 0 : i32
        %dma_wait3A_1158 = tpu.memref_slice %arg6[%rem3A_441, %dma_wait3A_1156, %dma_wait3A_1157] : memref<2x800x32xf32, #tpu.memory_space<vmem>> -> memref<1x800x32xf32, #tpu.memory_space<vmem>>
        %dma_wait3A_1159 = tpu.memref_squeeze %dma_wait3A_1158 : memref<1x800x32xf32, #tpu.memory_space<vmem>> -> memref<800x32xf32, #tpu.memory_space<vmem>>
        %dma_wait3A_1160 = arith.constant 450 : i32
        %dma_wait3A_1161 = arith.constant 0 : i32
        %dma_wait3A_1162 = tpu.memref_slice %dma_wait3A_1159[%dma_wait3A_1160, %dma_wait3A_1161] : memref<800x32xf32, #tpu.memory_space<vmem>> -> memref<50x32xf32, #tpu.memory_space<vmem>>
        tpu.wait_dma2 semaphore(%arg8 : memref<!tpu.dma_semaphore, #tpu.memory_space<semaphore_mem>>) src(%dma_wait3A_1162 : memref<50x32xf32, #tpu.memory_space<vmem>>) dst(%dma_wait3A_1155 : memref<50x32xf32, #tpu.memory_space<hbm>>)
        %mul3A_1163 = arith.constant 16 : i32
        %mul3A_1164 = arith.muli %sub3A_892, %mul3A_1163 : i32
        %add3A_1165 = arith.addi %mul3A_2, %mul3A_1164 : i32
        %add3A_1166 = arith.constant 10 : i32
        %add3A_1167 = arith.addi %add3A_1165, %add3A_1166 : i32
        %dma_wait3A_1168 = arith.constant 0 : i32
        %dma_wait3A_1169 = arith.constant 0 : i32
        %dma_wait3A_1170 = tpu.memref_slice %arg6[%rem3A_441, %dma_wait3A_1168, %dma_wait3A_1169] : memref<2x800x32xf32, #tpu.memory_space<vmem>> -> memref<1x800x32xf32, #tpu.memory_space<vmem>>
        %dma_wait3A_1171 = tpu.memref_squeeze %dma_wait3A_1170 : memref<1x800x32xf32, #tpu.memory_space<vmem>> -> memref<800x32xf32, #tpu.memory_space<vmem>>
        %dma_wait3A_1172 = arith.constant 500 : i32
        %dma_wait3A_1173 = arith.constant 0 : i32
        %dma_wait3A_1174 = tpu.memref_slice %dma_wait3A_1171[%dma_wait3A_1172, %dma_wait3A_1173] : memref<800x32xf32, #tpu.memory_space<vmem>> -> memref<50x32xf32, #tpu.memory_space<vmem>>
        %dma_wait3A_1175 = arith.constant 0 : i32
        %dma_wait3A_1176 = arith.constant 0 : i32
        %dma_wait3A_1177 = tpu.memref_slice %arg4[%add3A_1167, %dma_wait3A_1175, %dma_wait3A_1176] : memref<16384x50x32xf32, #tpu.memory_space<hbm>> -> memref<1x50x32xf32, #tpu.memory_space<hbm>>
        %dma_wait3A_1178 = tpu.memref_squeeze %dma_wait3A_1177 : memref<1x50x32xf32, #tpu.memory_space<hbm>> -> memref<50x32xf32, #tpu.memory_space<hbm>>
        %dma_wait3A_1179 = arith.constant 0 : i32
        %dma_wait3A_1180 = arith.constant 0 : i32
        %dma_wait3A_1181 = tpu.memref_slice %arg4[%add3A_1167, %dma_wait3A_1179, %dma_wait3A_1180] : memref<16384x50x32xf32, #tpu.memory_space<hbm>> -> memref<1x50x32xf32, #tpu.memory_space<hbm>>
        %dma_wait3A_1182 = tpu.memref_squeeze %dma_wait3A_1181 : memref<1x50x32xf32, #tpu.memory_space<hbm>> -> memref<50x32xf32, #tpu.memory_space<hbm>>
        %dma_wait3A_1183 = arith.constant 0 : i32
        %dma_wait3A_1184 = arith.constant 0 : i32
        %dma_wait3A_1185 = tpu.memref_slice %arg6[%rem3A_441, %dma_wait3A_1183, %dma_wait3A_1184] : memref<2x800x32xf32, #tpu.memory_space<vmem>> -> memref<1x800x32xf32, #tpu.memory_space<vmem>>
        %dma_wait3A_1186 = tpu.memref_squeeze %dma_wait3A_1185 : memref<1x800x32xf32, #tpu.memory_space<vmem>> -> memref<800x32xf32, #tpu.memory_space<vmem>>
        %dma_wait3A_1187 = arith.constant 500 : i32
        %dma_wait3A_1188 = arith.constant 0 : i32
        %dma_wait3A_1189 = tpu.memref_slice %dma_wait3A_1186[%dma_wait3A_1187, %dma_wait3A_1188] : memref<800x32xf32, #tpu.memory_space<vmem>> -> memref<50x32xf32, #tpu.memory_space<vmem>>
        tpu.wait_dma2 semaphore(%arg8 : memref<!tpu.dma_semaphore, #tpu.memory_space<semaphore_mem>>) src(%dma_wait3A_1189 : memref<50x32xf32, #tpu.memory_space<vmem>>) dst(%dma_wait3A_1182 : memref<50x32xf32, #tpu.memory_space<hbm>>)
        %mul3A_1190 = arith.constant 16 : i32
        %mul3A_1191 = arith.muli %sub3A_892, %mul3A_1190 : i32
        %add3A_1192 = arith.addi %mul3A_2, %mul3A_1191 : i32
        %add3A_1193 = arith.constant 11 : i32
        %add3A_1194 = arith.addi %add3A_1192, %add3A_1193 : i32
        %dma_wait3A_1195 = arith.constant 0 : i32
        %dma_wait3A_1196 = arith.constant 0 : i32
        %dma_wait3A_1197 = tpu.memref_slice %arg6[%rem3A_441, %dma_wait3A_1195, %dma_wait3A_1196] : memref<2x800x32xf32, #tpu.memory_space<vmem>> -> memref<1x800x32xf32, #tpu.memory_space<vmem>>
        %dma_wait3A_1198 = tpu.memref_squeeze %dma_wait3A_1197 : memref<1x800x32xf32, #tpu.memory_space<vmem>> -> memref<800x32xf32, #tpu.memory_space<vmem>>
        %dma_wait3A_1199 = arith.constant 550 : i32
        %dma_wait3A_1200 = arith.constant 0 : i32
        %dma_wait3A_1201 = tpu.memref_slice %dma_wait3A_1198[%dma_wait3A_1199, %dma_wait3A_1200] : memref<800x32xf32, #tpu.memory_space<vmem>> -> memref<50x32xf32, #tpu.memory_space<vmem>>
        %dma_wait3A_1202 = arith.constant 0 : i32
        %dma_wait3A_1203 = arith.constant 0 : i32
        %dma_wait3A_1204 = tpu.memref_slice %arg4[%add3A_1194, %dma_wait3A_1202, %dma_wait3A_1203] : memref<16384x50x32xf32, #tpu.memory_space<hbm>> -> memref<1x50x32xf32, #tpu.memory_space<hbm>>
        %dma_wait3A_1205 = tpu.memref_squeeze %dma_wait3A_1204 : memref<1x50x32xf32, #tpu.memory_space<hbm>> -> memref<50x32xf32, #tpu.memory_space<hbm>>
        %dma_wait3A_1206 = arith.constant 0 : i32
        %dma_wait3A_1207 = arith.constant 0 : i32
        %dma_wait3A_1208 = tpu.memref_slice %arg4[%add3A_1194, %dma_wait3A_1206, %dma_wait3A_1207] : memref<16384x50x32xf32, #tpu.memory_space<hbm>> -> memref<1x50x32xf32, #tpu.memory_space<hbm>>
        %dma_wait3A_1209 = tpu.memref_squeeze %dma_wait3A_1208 : memref<1x50x32xf32, #tpu.memory_space<hbm>> -> memref<50x32xf32, #tpu.memory_space<hbm>>
        %dma_wait3A_1210 = arith.constant 0 : i32
        %dma_wait3A_1211 = arith.constant 0 : i32
        %dma_wait3A_1212 = tpu.memref_slice %arg6[%rem3A_441, %dma_wait3A_1210, %dma_wait3A_1211] : memref<2x800x32xf32, #tpu.memory_space<vmem>> -> memref<1x800x32xf32, #tpu.memory_space<vmem>>
        %dma_wait3A_1213 = tpu.memref_squeeze %dma_wait3A_1212 : memref<1x800x32xf32, #tpu.memory_space<vmem>> -> memref<800x32xf32, #tpu.memory_space<vmem>>
        %dma_wait3A_1214 = arith.constant 550 : i32
        %dma_wait3A_1215 = arith.constant 0 : i32
        %dma_wait3A_1216 = tpu.memref_slice %dma_wait3A_1213[%dma_wait3A_1214, %dma_wait3A_1215] : memref<800x32xf32, #tpu.memory_space<vmem>> -> memref<50x32xf32, #tpu.memory_space<vmem>>
        tpu.wait_dma2 semaphore(%arg8 : memref<!tpu.dma_semaphore, #tpu.memory_space<semaphore_mem>>) src(%dma_wait3A_1216 : memref<50x32xf32, #tpu.memory_space<vmem>>) dst(%dma_wait3A_1209 : memref<50x32xf32, #tpu.memory_space<hbm>>)
        %mul3A_1217 = arith.constant 16 : i32
        %mul3A_1218 = arith.muli %sub3A_892, %mul3A_1217 : i32
        %add3A_1219 = arith.addi %mul3A_2, %mul3A_1218 : i32
        %add3A_1220 = arith.constant 12 : i32
        %add3A_1221 = arith.addi %add3A_1219, %add3A_1220 : i32
        %dma_wait3A_1222 = arith.constant 0 : i32
        %dma_wait3A_1223 = arith.constant 0 : i32
        %dma_wait3A_1224 = tpu.memref_slice %arg6[%rem3A_441, %dma_wait3A_1222, %dma_wait3A_1223] : memref<2x800x32xf32, #tpu.memory_space<vmem>> -> memref<1x800x32xf32, #tpu.memory_space<vmem>>
        %dma_wait3A_1225 = tpu.memref_squeeze %dma_wait3A_1224 : memref<1x800x32xf32, #tpu.memory_space<vmem>> -> memref<800x32xf32, #tpu.memory_space<vmem>>
        %dma_wait3A_1226 = arith.constant 600 : i32
        %dma_wait3A_1227 = arith.constant 0 : i32
        %dma_wait3A_1228 = tpu.memref_slice %dma_wait3A_1225[%dma_wait3A_1226, %dma_wait3A_1227] : memref<800x32xf32, #tpu.memory_space<vmem>> -> memref<50x32xf32, #tpu.memory_space<vmem>>
        %dma_wait3A_1229 = arith.constant 0 : i32
        %dma_wait3A_1230 = arith.constant 0 : i32
        %dma_wait3A_1231 = tpu.memref_slice %arg4[%add3A_1221, %dma_wait3A_1229, %dma_wait3A_1230] : memref<16384x50x32xf32, #tpu.memory_space<hbm>> -> memref<1x50x32xf32, #tpu.memory_space<hbm>>
        %dma_wait3A_1232 = tpu.memref_squeeze %dma_wait3A_1231 : memref<1x50x32xf32, #tpu.memory_space<hbm>> -> memref<50x32xf32, #tpu.memory_space<hbm>>
        %dma_wait3A_1233 = arith.constant 0 : i32
        %dma_wait3A_1234 = arith.constant 0 : i32
        %dma_wait3A_1235 = tpu.memref_slice %arg4[%add3A_1221, %dma_wait3A_1233, %dma_wait3A_1234] : memref<16384x50x32xf32, #tpu.memory_space<hbm>> -> memref<1x50x32xf32, #tpu.memory_space<hbm>>
        %dma_wait3A_1236 = tpu.memref_squeeze %dma_wait3A_1235 : memref<1x50x32xf32, #tpu.memory_space<hbm>> -> memref<50x32xf32, #tpu.memory_space<hbm>>
        %dma_wait3A_1237 = arith.constant 0 : i32
        %dma_wait3A_1238 = arith.constant 0 : i32
        %dma_wait3A_1239 = tpu.memref_slice %arg6[%rem3A_441, %dma_wait3A_1237, %dma_wait3A_1238] : memref<2x800x32xf32, #tpu.memory_space<vmem>> -> memref<1x800x32xf32, #tpu.memory_space<vmem>>
        %dma_wait3A_1240 = tpu.memref_squeeze %dma_wait3A_1239 : memref<1x800x32xf32, #tpu.memory_space<vmem>> -> memref<800x32xf32, #tpu.memory_space<vmem>>
        %dma_wait3A_1241 = arith.constant 600 : i32
        %dma_wait3A_1242 = arith.constant 0 : i32
        %dma_wait3A_1243 = tpu.memref_slice %dma_wait3A_1240[%dma_wait3A_1241, %dma_wait3A_1242] : memref<800x32xf32, #tpu.memory_space<vmem>> -> memref<50x32xf32, #tpu.memory_space<vmem>>
        tpu.wait_dma2 semaphore(%arg8 : memref<!tpu.dma_semaphore, #tpu.memory_space<semaphore_mem>>) src(%dma_wait3A_1243 : memref<50x32xf32, #tpu.memory_space<vmem>>) dst(%dma_wait3A_1236 : memref<50x32xf32, #tpu.memory_space<hbm>>)
        %mul3A_1244 = arith.constant 16 : i32
        %mul3A_1245 = arith.muli %sub3A_892, %mul3A_1244 : i32
        %add3A_1246 = arith.addi %mul3A_2, %mul3A_1245 : i32
        %add3A_1247 = arith.constant 13 : i32
        %add3A_1248 = arith.addi %add3A_1246, %add3A_1247 : i32
        %dma_wait3A_1249 = arith.constant 0 : i32
        %dma_wait3A_1250 = arith.constant 0 : i32
        %dma_wait3A_1251 = tpu.memref_slice %arg6[%rem3A_441, %dma_wait3A_1249, %dma_wait3A_1250] : memref<2x800x32xf32, #tpu.memory_space<vmem>> -> memref<1x800x32xf32, #tpu.memory_space<vmem>>
        %dma_wait3A_1252 = tpu.memref_squeeze %dma_wait3A_1251 : memref<1x800x32xf32, #tpu.memory_space<vmem>> -> memref<800x32xf32, #tpu.memory_space<vmem>>
        %dma_wait3A_1253 = arith.constant 650 : i32
        %dma_wait3A_1254 = arith.constant 0 : i32
        %dma_wait3A_1255 = tpu.memref_slice %dma_wait3A_1252[%dma_wait3A_1253, %dma_wait3A_1254] : memref<800x32xf32, #tpu.memory_space<vmem>> -> memref<50x32xf32, #tpu.memory_space<vmem>>
        %dma_wait3A_1256 = arith.constant 0 : i32
        %dma_wait3A_1257 = arith.constant 0 : i32
        %dma_wait3A_1258 = tpu.memref_slice %arg4[%add3A_1248, %dma_wait3A_1256, %dma_wait3A_1257] : memref<16384x50x32xf32, #tpu.memory_space<hbm>> -> memref<1x50x32xf32, #tpu.memory_space<hbm>>
        %dma_wait3A_1259 = tpu.memref_squeeze %dma_wait3A_1258 : memref<1x50x32xf32, #tpu.memory_space<hbm>> -> memref<50x32xf32, #tpu.memory_space<hbm>>
        %dma_wait3A_1260 = arith.constant 0 : i32
        %dma_wait3A_1261 = arith.constant 0 : i32
        %dma_wait3A_1262 = tpu.memref_slice %arg4[%add3A_1248, %dma_wait3A_1260, %dma_wait3A_1261] : memref<16384x50x32xf32, #tpu.memory_space<hbm>> -> memref<1x50x32xf32, #tpu.memory_space<hbm>>
        %dma_wait3A_1263 = tpu.memref_squeeze %dma_wait3A_1262 : memref<1x50x32xf32, #tpu.memory_space<hbm>> -> memref<50x32xf32, #tpu.memory_space<hbm>>
        %dma_wait3A_1264 = arith.constant 0 : i32
        %dma_wait3A_1265 = arith.constant 0 : i32
        %dma_wait3A_1266 = tpu.memref_slice %arg6[%rem3A_441, %dma_wait3A_1264, %dma_wait3A_1265] : memref<2x800x32xf32, #tpu.memory_space<vmem>> -> memref<1x800x32xf32, #tpu.memory_space<vmem>>
        %dma_wait3A_1267 = tpu.memref_squeeze %dma_wait3A_1266 : memref<1x800x32xf32, #tpu.memory_space<vmem>> -> memref<800x32xf32, #tpu.memory_space<vmem>>
        %dma_wait3A_1268 = arith.constant 650 : i32
        %dma_wait3A_1269 = arith.constant 0 : i32
        %dma_wait3A_1270 = tpu.memref_slice %dma_wait3A_1267[%dma_wait3A_1268, %dma_wait3A_1269] : memref<800x32xf32, #tpu.memory_space<vmem>> -> memref<50x32xf32, #tpu.memory_space<vmem>>
        tpu.wait_dma2 semaphore(%arg8 : memref<!tpu.dma_semaphore, #tpu.memory_space<semaphore_mem>>) src(%dma_wait3A_1270 : memref<50x32xf32, #tpu.memory_space<vmem>>) dst(%dma_wait3A_1263 : memref<50x32xf32, #tpu.memory_space<hbm>>)
        %mul3A_1271 = arith.constant 16 : i32
        %mul3A_1272 = arith.muli %sub3A_892, %mul3A_1271 : i32
        %add3A_1273 = arith.addi %mul3A_2, %mul3A_1272 : i32
        %add3A_1274 = arith.constant 14 : i32
        %add3A_1275 = arith.addi %add3A_1273, %add3A_1274 : i32
        %dma_wait3A_1276 = arith.constant 0 : i32
        %dma_wait3A_1277 = arith.constant 0 : i32
        %dma_wait3A_1278 = tpu.memref_slice %arg6[%rem3A_441, %dma_wait3A_1276, %dma_wait3A_1277] : memref<2x800x32xf32, #tpu.memory_space<vmem>> -> memref<1x800x32xf32, #tpu.memory_space<vmem>>
        %dma_wait3A_1279 = tpu.memref_squeeze %dma_wait3A_1278 : memref<1x800x32xf32, #tpu.memory_space<vmem>> -> memref<800x32xf32, #tpu.memory_space<vmem>>
        %dma_wait3A_1280 = arith.constant 700 : i32
        %dma_wait3A_1281 = arith.constant 0 : i32
        %dma_wait3A_1282 = tpu.memref_slice %dma_wait3A_1279[%dma_wait3A_1280, %dma_wait3A_1281] : memref<800x32xf32, #tpu.memory_space<vmem>> -> memref<50x32xf32, #tpu.memory_space<vmem>>
        %dma_wait3A_1283 = arith.constant 0 : i32
        %dma_wait3A_1284 = arith.constant 0 : i32
        %dma_wait3A_1285 = tpu.memref_slice %arg4[%add3A_1275, %dma_wait3A_1283, %dma_wait3A_1284] : memref<16384x50x32xf32, #tpu.memory_space<hbm>> -> memref<1x50x32xf32, #tpu.memory_space<hbm>>
        %dma_wait3A_1286 = tpu.memref_squeeze %dma_wait3A_1285 : memref<1x50x32xf32, #tpu.memory_space<hbm>> -> memref<50x32xf32, #tpu.memory_space<hbm>>
        %dma_wait3A_1287 = arith.constant 0 : i32
        %dma_wait3A_1288 = arith.constant 0 : i32
        %dma_wait3A_1289 = tpu.memref_slice %arg4[%add3A_1275, %dma_wait3A_1287, %dma_wait3A_1288] : memref<16384x50x32xf32, #tpu.memory_space<hbm>> -> memref<1x50x32xf32, #tpu.memory_space<hbm>>
        %dma_wait3A_1290 = tpu.memref_squeeze %dma_wait3A_1289 : memref<1x50x32xf32, #tpu.memory_space<hbm>> -> memref<50x32xf32, #tpu.memory_space<hbm>>
        %dma_wait3A_1291 = arith.constant 0 : i32
        %dma_wait3A_1292 = arith.constant 0 : i32
        %dma_wait3A_1293 = tpu.memref_slice %arg6[%rem3A_441, %dma_wait3A_1291, %dma_wait3A_1292] : memref<2x800x32xf32, #tpu.memory_space<vmem>> -> memref<1x800x32xf32, #tpu.memory_space<vmem>>
        %dma_wait3A_1294 = tpu.memref_squeeze %dma_wait3A_1293 : memref<1x800x32xf32, #tpu.memory_space<vmem>> -> memref<800x32xf32, #tpu.memory_space<vmem>>
        %dma_wait3A_1295 = arith.constant 700 : i32
        %dma_wait3A_1296 = arith.constant 0 : i32
        %dma_wait3A_1297 = tpu.memref_slice %dma_wait3A_1294[%dma_wait3A_1295, %dma_wait3A_1296] : memref<800x32xf32, #tpu.memory_space<vmem>> -> memref<50x32xf32, #tpu.memory_space<vmem>>
        tpu.wait_dma2 semaphore(%arg8 : memref<!tpu.dma_semaphore, #tpu.memory_space<semaphore_mem>>) src(%dma_wait3A_1297 : memref<50x32xf32, #tpu.memory_space<vmem>>) dst(%dma_wait3A_1290 : memref<50x32xf32, #tpu.memory_space<hbm>>)
        %mul3A_1298 = arith.constant 16 : i32
        %mul3A_1299 = arith.muli %sub3A_892, %mul3A_1298 : i32
        %add3A_1300 = arith.addi %mul3A_2, %mul3A_1299 : i32
        %add3A_1301 = arith.constant 15 : i32
        %add3A_1302 = arith.addi %add3A_1300, %add3A_1301 : i32
        %dma_wait3A_1303 = arith.constant 0 : i32
        %dma_wait3A_1304 = arith.constant 0 : i32
        %dma_wait3A_1305 = tpu.memref_slice %arg6[%rem3A_441, %dma_wait3A_1303, %dma_wait3A_1304] : memref<2x800x32xf32, #tpu.memory_space<vmem>> -> memref<1x800x32xf32, #tpu.memory_space<vmem>>
        %dma_wait3A_1306 = tpu.memref_squeeze %dma_wait3A_1305 : memref<1x800x32xf32, #tpu.memory_space<vmem>> -> memref<800x32xf32, #tpu.memory_space<vmem>>
        %dma_wait3A_1307 = arith.constant 750 : i32
        %dma_wait3A_1308 = arith.constant 0 : i32
        %dma_wait3A_1309 = tpu.memref_slice %dma_wait3A_1306[%dma_wait3A_1307, %dma_wait3A_1308] : memref<800x32xf32, #tpu.memory_space<vmem>> -> memref<50x32xf32, #tpu.memory_space<vmem>>
        %dma_wait3A_1310 = arith.constant 0 : i32
        %dma_wait3A_1311 = arith.constant 0 : i32
        %dma_wait3A_1312 = tpu.memref_slice %arg4[%add3A_1302, %dma_wait3A_1310, %dma_wait3A_1311] : memref<16384x50x32xf32, #tpu.memory_space<hbm>> -> memref<1x50x32xf32, #tpu.memory_space<hbm>>
        %dma_wait3A_1313 = tpu.memref_squeeze %dma_wait3A_1312 : memref<1x50x32xf32, #tpu.memory_space<hbm>> -> memref<50x32xf32, #tpu.memory_space<hbm>>
        %dma_wait3A_1314 = arith.constant 0 : i32
        %dma_wait3A_1315 = arith.constant 0 : i32
        %dma_wait3A_1316 = tpu.memref_slice %arg4[%add3A_1302, %dma_wait3A_1314, %dma_wait3A_1315] : memref<16384x50x32xf32, #tpu.memory_space<hbm>> -> memref<1x50x32xf32, #tpu.memory_space<hbm>>
        %dma_wait3A_1317 = tpu.memref_squeeze %dma_wait3A_1316 : memref<1x50x32xf32, #tpu.memory_space<hbm>> -> memref<50x32xf32, #tpu.memory_space<hbm>>
        %dma_wait3A_1318 = arith.constant 0 : i32
        %dma_wait3A_1319 = arith.constant 0 : i32
        %dma_wait3A_1320 = tpu.memref_slice %arg6[%rem3A_441, %dma_wait3A_1318, %dma_wait3A_1319] : memref<2x800x32xf32, #tpu.memory_space<vmem>> -> memref<1x800x32xf32, #tpu.memory_space<vmem>>
        %dma_wait3A_1321 = tpu.memref_squeeze %dma_wait3A_1320 : memref<1x800x32xf32, #tpu.memory_space<vmem>> -> memref<800x32xf32, #tpu.memory_space<vmem>>
        %dma_wait3A_1322 = arith.constant 750 : i32
        %dma_wait3A_1323 = arith.constant 0 : i32
        %dma_wait3A_1324 = tpu.memref_slice %dma_wait3A_1321[%dma_wait3A_1322, %dma_wait3A_1323] : memref<800x32xf32, #tpu.memory_space<vmem>> -> memref<50x32xf32, #tpu.memory_space<vmem>>
        tpu.wait_dma2 semaphore(%arg8 : memref<!tpu.dma_semaphore, #tpu.memory_space<semaphore_mem>>) src(%dma_wait3A_1324 : memref<50x32xf32, #tpu.memory_space<vmem>>) dst(%dma_wait3A_1317 : memref<50x32xf32, #tpu.memory_space<hbm>>)
      } else {
      }
      %add3A_444 = arith.constant 1 : i32
      %add3A_445 = arith.addi %scan3A_435, %add3A_444 : i32
      %lt3A = arith.constant 32 : i32
      %lt3A_446 = arith.cmpi slt, %add3A_445, %lt3A : i32
      %convert_element_type3A_447 = arith.extui %lt3A_446 : i1 to i32
      %cond3A_448 = arith.constant 0 : i32
      %cond3A_449 = arith.cmpi ne, %convert_element_type3A_447, %cond3A_448 : i32
      scf.if %cond3A_449 {
        %add3A_892 = arith.constant 1 : i32
        %add3A_893 = arith.addi %scan3A_435, %add3A_892 : i32
        %mul3A_894 = arith.constant 800 : i32
        %mul3A_895 = arith.muli %add3A_893, %mul3A_894 : i32
        %dma_start3A_896 = arith.constant 0 : i32
        %dma_start3A_897 = arith.constant 0 : i32
        %dma_start3A_898 = tpu.memref_slice %arg6[%rem3A_441, %dma_start3A_896, %dma_start3A_897] : memref<2x800x32xf32, #tpu.memory_space<vmem>> -> memref<1x800x32xf32, #tpu.memory_space<vmem>>
        %dma_start3A_899 = tpu.memref_squeeze %dma_start3A_898 : memref<1x800x32xf32, #tpu.memory_space<vmem>> -> memref<800x32xf32, #tpu.memory_space<vmem>>
        %dma_start3A_900 = tpu.memref_slice %arg5[%mul3A_895] : memref<25600xi32, #tpu.memory_space<vmem>> -> memref<800xi32, #tpu.memory_space<vmem>>
        %dma_start3A_901 = arith.constant 0 : i32
        %dma_start3A_902 = arith.constant 0 : i32
        %dma_start3A_903 = tpu.memref_slice %arg3[%dma_start3A_901, %dma_start3A_902] : memref<1000000x32xf32, #tpu.memory_space<hbm>> -> memref<1000000x32xf32, #tpu.memory_space<hbm>>
        tpu.enqueue_indirect_dma source(%dma_start3A_903 : memref<1000000x32xf32, #tpu.memory_space<hbm>>) target(%dma_start3A_899 : memref<800x32xf32, #tpu.memory_space<vmem>>) offsets(%dma_start3A_900 : memref<800xi32, #tpu.memory_space<vmem>>) semaphore(%arg7 : memref<!tpu.dma_semaphore, #tpu.memory_space<semaphore_mem>>)
      } else {
      }
      %mul3A_450 = arith.constant 800 : i32
      %mul3A_451 = arith.muli %scan3A_435, %mul3A_450 : i32
      %dma_wait3A_452 = arith.constant 0 : i32
      %dma_wait3A_453 = arith.constant 0 : i32
      %dma_wait3A_454 = tpu.memref_slice %arg6[%rem3A_437, %dma_wait3A_452, %dma_wait3A_453] : memref<2x800x32xf32, #tpu.memory_space<vmem>> -> memref<1x800x32xf32, #tpu.memory_space<vmem>>
      %dma_wait3A_455 = tpu.memref_squeeze %dma_wait3A_454 : memref<1x800x32xf32, #tpu.memory_space<vmem>> -> memref<800x32xf32, #tpu.memory_space<vmem>>
      %dma_wait3A_456 = tpu.memref_slice %arg5[%mul3A_451] : memref<25600xi32, #tpu.memory_space<vmem>> -> memref<800xi32, #tpu.memory_space<vmem>>
      %dma_wait3A_457 = arith.constant 0 : i32
      %dma_wait3A_458 = arith.constant 0 : i32
      %dma_wait3A_459 = tpu.memref_slice %arg3[%dma_wait3A_457, %dma_wait3A_458] : memref<1000000x32xf32, #tpu.memory_space<hbm>> -> memref<1000000x32xf32, #tpu.memory_space<hbm>>
      tpu.wait_indirect_dma semaphore(%arg7 : memref<!tpu.dma_semaphore, #tpu.memory_space<semaphore_mem>>) src(%dma_wait3A_459 : memref<1000000x32xf32, #tpu.memory_space<hbm>>) dst(%dma_wait3A_455 : memref<800x32xf32, #tpu.memory_space<vmem>>)
      %mul3A_460 = arith.constant 16 : i32
      %mul3A_461 = arith.muli %scan3A_435, %mul3A_460 : i32
      %add3A_462 = arith.addi %mul3A_2, %mul3A_461 : i32
      %add3A_463 = arith.constant 0 : i32
      %add3A_464 = arith.addi %add3A_462, %add3A_463 : i32
      %dma_start3A_465 = arith.constant 0 : i32
      %dma_start3A_466 = arith.constant 0 : i32
      %dma_start3A_467 = tpu.memref_slice %arg6[%rem3A_437, %dma_start3A_465, %dma_start3A_466] : memref<2x800x32xf32, #tpu.memory_space<vmem>> -> memref<1x800x32xf32, #tpu.memory_space<vmem>>
      %dma_start3A_468 = tpu.memref_squeeze %dma_start3A_467 : memref<1x800x32xf32, #tpu.memory_space<vmem>> -> memref<800x32xf32, #tpu.memory_space<vmem>>
      %dma_start3A_469 = arith.constant 0 : i32
      %dma_start3A_470 = arith.constant 0 : i32
      %dma_start3A_471 = tpu.memref_slice %dma_start3A_468[%dma_start3A_469, %dma_start3A_470] : memref<800x32xf32, #tpu.memory_space<vmem>> -> memref<50x32xf32, #tpu.memory_space<vmem>>
      %dma_start3A_472 = arith.constant 0 : i32
      %dma_start3A_473 = arith.constant 0 : i32
      %dma_start3A_474 = tpu.memref_slice %arg4[%add3A_464, %dma_start3A_472, %dma_start3A_473] : memref<16384x50x32xf32, #tpu.memory_space<hbm>> -> memref<1x50x32xf32, #tpu.memory_space<hbm>>
      %dma_start3A_475 = tpu.memref_squeeze %dma_start3A_474 : memref<1x50x32xf32, #tpu.memory_space<hbm>> -> memref<50x32xf32, #tpu.memory_space<hbm>>
      %dma_start3A_476 = arith.constant 0 : i32
      %dma_start3A_477 = arith.constant 0 : i32
      %dma_start3A_478 = tpu.memref_slice %arg4[%add3A_464, %dma_start3A_476, %dma_start3A_477] : memref<16384x50x32xf32, #tpu.memory_space<hbm>> -> memref<1x50x32xf32, #tpu.memory_space<hbm>>
      %dma_start3A_479 = tpu.memref_squeeze %dma_start3A_478 : memref<1x50x32xf32, #tpu.memory_space<hbm>> -> memref<50x32xf32, #tpu.memory_space<hbm>>
      %dma_start3A_480 = arith.constant 0 : i32
      %dma_start3A_481 = arith.constant 0 : i32
      %dma_start3A_482 = tpu.memref_slice %arg6[%rem3A_437, %dma_start3A_480, %dma_start3A_481] : memref<2x800x32xf32, #tpu.memory_space<vmem>> -> memref<1x800x32xf32, #tpu.memory_space<vmem>>
      %dma_start3A_483 = tpu.memref_squeeze %dma_start3A_482 : memref<1x800x32xf32, #tpu.memory_space<vmem>> -> memref<800x32xf32, #tpu.memory_space<vmem>>
      %dma_start3A_484 = arith.constant 0 : i32
      %dma_start3A_485 = arith.constant 0 : i32
      %dma_start3A_486 = tpu.memref_slice %dma_start3A_483[%dma_start3A_484, %dma_start3A_485] : memref<800x32xf32, #tpu.memory_space<vmem>> -> memref<50x32xf32, #tpu.memory_space<vmem>>
      tpu.enqueue_dma source(%dma_start3A_486 : memref<50x32xf32, #tpu.memory_space<vmem>>) target(%dma_start3A_479 : memref<50x32xf32, #tpu.memory_space<hbm>>) target_semaphore(%arg8 : memref<!tpu.dma_semaphore, #tpu.memory_space<semaphore_mem>>)
      %mul3A_487 = arith.constant 16 : i32
      %mul3A_488 = arith.muli %scan3A_435, %mul3A_487 : i32
      %add3A_489 = arith.addi %mul3A_2, %mul3A_488 : i32
      %add3A_490 = arith.constant 1 : i32
      %add3A_491 = arith.addi %add3A_489, %add3A_490 : i32
      %dma_start3A_492 = arith.constant 0 : i32
      %dma_start3A_493 = arith.constant 0 : i32
      %dma_start3A_494 = tpu.memref_slice %arg6[%rem3A_437, %dma_start3A_492, %dma_start3A_493] : memref<2x800x32xf32, #tpu.memory_space<vmem>> -> memref<1x800x32xf32, #tpu.memory_space<vmem>>
      %dma_start3A_495 = tpu.memref_squeeze %dma_start3A_494 : memref<1x800x32xf32, #tpu.memory_space<vmem>> -> memref<800x32xf32, #tpu.memory_space<vmem>>
      %dma_start3A_496 = arith.constant 50 : i32
      %dma_start3A_497 = arith.constant 0 : i32
      %dma_start3A_498 = tpu.memref_slice %dma_start3A_495[%dma_start3A_496, %dma_start3A_497] : memref<800x32xf32, #tpu.memory_space<vmem>> -> memref<50x32xf32, #tpu.memory_space<vmem>>
      %dma_start3A_499 = arith.constant 0 : i32
      %dma_start3A_500 = arith.constant 0 : i32
      %dma_start3A_501 = tpu.memref_slice %arg4[%add3A_491, %dma_start3A_499, %dma_start3A_500] : memref<16384x50x32xf32, #tpu.memory_space<hbm>> -> memref<1x50x32xf32, #tpu.memory_space<hbm>>
      %dma_start3A_502 = tpu.memref_squeeze %dma_start3A_501 : memref<1x50x32xf32, #tpu.memory_space<hbm>> -> memref<50x32xf32, #tpu.memory_space<hbm>>
      %dma_start3A_503 = arith.constant 0 : i32
      %dma_start3A_504 = arith.constant 0 : i32
      %dma_start3A_505 = tpu.memref_slice %arg4[%add3A_491, %dma_start3A_503, %dma_start3A_504] : memref<16384x50x32xf32, #tpu.memory_space<hbm>> -> memref<1x50x32xf32, #tpu.memory_space<hbm>>
      %dma_start3A_506 = tpu.memref_squeeze %dma_start3A_505 : memref<1x50x32xf32, #tpu.memory_space<hbm>> -> memref<50x32xf32, #tpu.memory_space<hbm>>
      %dma_start3A_507 = arith.constant 0 : i32
      %dma_start3A_508 = arith.constant 0 : i32
      %dma_start3A_509 = tpu.memref_slice %arg6[%rem3A_437, %dma_start3A_507, %dma_start3A_508] : memref<2x800x32xf32, #tpu.memory_space<vmem>> -> memref<1x800x32xf32, #tpu.memory_space<vmem>>
      %dma_start3A_510 = tpu.memref_squeeze %dma_start3A_509 : memref<1x800x32xf32, #tpu.memory_space<vmem>> -> memref<800x32xf32, #tpu.memory_space<vmem>>
      %dma_start3A_511 = arith.constant 50 : i32
      %dma_start3A_512 = arith.constant 0 : i32
      %dma_start3A_513 = tpu.memref_slice %dma_start3A_510[%dma_start3A_511, %dma_start3A_512] : memref<800x32xf32, #tpu.memory_space<vmem>> -> memref<50x32xf32, #tpu.memory_space<vmem>>
      tpu.enqueue_dma source(%dma_start3A_513 : memref<50x32xf32, #tpu.memory_space<vmem>>) target(%dma_start3A_506 : memref<50x32xf32, #tpu.memory_space<hbm>>) target_semaphore(%arg8 : memref<!tpu.dma_semaphore, #tpu.memory_space<semaphore_mem>>)
      %mul3A_514 = arith.constant 16 : i32
      %mul3A_515 = arith.muli %scan3A_435, %mul3A_514 : i32
      %add3A_516 = arith.addi %mul3A_2, %mul3A_515 : i32
      %add3A_517 = arith.constant 2 : i32
      %add3A_518 = arith.addi %add3A_516, %add3A_517 : i32
      %dma_start3A_519 = arith.constant 0 : i32
      %dma_start3A_520 = arith.constant 0 : i32
      %dma_start3A_521 = tpu.memref_slice %arg6[%rem3A_437, %dma_start3A_519, %dma_start3A_520] : memref<2x800x32xf32, #tpu.memory_space<vmem>> -> memref<1x800x32xf32, #tpu.memory_space<vmem>>
      %dma_start3A_522 = tpu.memref_squeeze %dma_start3A_521 : memref<1x800x32xf32, #tpu.memory_space<vmem>> -> memref<800x32xf32, #tpu.memory_space<vmem>>
      %dma_start3A_523 = arith.constant 100 : i32
      %dma_start3A_524 = arith.constant 0 : i32
      %dma_start3A_525 = tpu.memref_slice %dma_start3A_522[%dma_start3A_523, %dma_start3A_524] : memref<800x32xf32, #tpu.memory_space<vmem>> -> memref<50x32xf32, #tpu.memory_space<vmem>>
      %dma_start3A_526 = arith.constant 0 : i32
      %dma_start3A_527 = arith.constant 0 : i32
      %dma_start3A_528 = tpu.memref_slice %arg4[%add3A_518, %dma_start3A_526, %dma_start3A_527] : memref<16384x50x32xf32, #tpu.memory_space<hbm>> -> memref<1x50x32xf32, #tpu.memory_space<hbm>>
      %dma_start3A_529 = tpu.memref_squeeze %dma_start3A_528 : memref<1x50x32xf32, #tpu.memory_space<hbm>> -> memref<50x32xf32, #tpu.memory_space<hbm>>
      %dma_start3A_530 = arith.constant 0 : i32
      %dma_start3A_531 = arith.constant 0 : i32
      %dma_start3A_532 = tpu.memref_slice %arg4[%add3A_518, %dma_start3A_530, %dma_start3A_531] : memref<16384x50x32xf32, #tpu.memory_space<hbm>> -> memref<1x50x32xf32, #tpu.memory_space<hbm>>
      %dma_start3A_533 = tpu.memref_squeeze %dma_start3A_532 : memref<1x50x32xf32, #tpu.memory_space<hbm>> -> memref<50x32xf32, #tpu.memory_space<hbm>>
      %dma_start3A_534 = arith.constant 0 : i32
      %dma_start3A_535 = arith.constant 0 : i32
      %dma_start3A_536 = tpu.memref_slice %arg6[%rem3A_437, %dma_start3A_534, %dma_start3A_535] : memref<2x800x32xf32, #tpu.memory_space<vmem>> -> memref<1x800x32xf32, #tpu.memory_space<vmem>>
      %dma_start3A_537 = tpu.memref_squeeze %dma_start3A_536 : memref<1x800x32xf32, #tpu.memory_space<vmem>> -> memref<800x32xf32, #tpu.memory_space<vmem>>
      %dma_start3A_538 = arith.constant 100 : i32
      %dma_start3A_539 = arith.constant 0 : i32
      %dma_start3A_540 = tpu.memref_slice %dma_start3A_537[%dma_start3A_538, %dma_start3A_539] : memref<800x32xf32, #tpu.memory_space<vmem>> -> memref<50x32xf32, #tpu.memory_space<vmem>>
      tpu.enqueue_dma source(%dma_start3A_540 : memref<50x32xf32, #tpu.memory_space<vmem>>) target(%dma_start3A_533 : memref<50x32xf32, #tpu.memory_space<hbm>>) target_semaphore(%arg8 : memref<!tpu.dma_semaphore, #tpu.memory_space<semaphore_mem>>)
      %mul3A_541 = arith.constant 16 : i32
      %mul3A_542 = arith.muli %scan3A_435, %mul3A_541 : i32
      %add3A_543 = arith.addi %mul3A_2, %mul3A_542 : i32
      %add3A_544 = arith.constant 3 : i32
      %add3A_545 = arith.addi %add3A_543, %add3A_544 : i32
      %dma_start3A_546 = arith.constant 0 : i32
      %dma_start3A_547 = arith.constant 0 : i32
      %dma_start3A_548 = tpu.memref_slice %arg6[%rem3A_437, %dma_start3A_546, %dma_start3A_547] : memref<2x800x32xf32, #tpu.memory_space<vmem>> -> memref<1x800x32xf32, #tpu.memory_space<vmem>>
      %dma_start3A_549 = tpu.memref_squeeze %dma_start3A_548 : memref<1x800x32xf32, #tpu.memory_space<vmem>> -> memref<800x32xf32, #tpu.memory_space<vmem>>
      %dma_start3A_550 = arith.constant 150 : i32
      %dma_start3A_551 = arith.constant 0 : i32
      %dma_start3A_552 = tpu.memref_slice %dma_start3A_549[%dma_start3A_550, %dma_start3A_551] : memref<800x32xf32, #tpu.memory_space<vmem>> -> memref<50x32xf32, #tpu.memory_space<vmem>>
      %dma_start3A_553 = arith.constant 0 : i32
      %dma_start3A_554 = arith.constant 0 : i32
      %dma_start3A_555 = tpu.memref_slice %arg4[%add3A_545, %dma_start3A_553, %dma_start3A_554] : memref<16384x50x32xf32, #tpu.memory_space<hbm>> -> memref<1x50x32xf32, #tpu.memory_space<hbm>>
      %dma_start3A_556 = tpu.memref_squeeze %dma_start3A_555 : memref<1x50x32xf32, #tpu.memory_space<hbm>> -> memref<50x32xf32, #tpu.memory_space<hbm>>
      %dma_start3A_557 = arith.constant 0 : i32
      %dma_start3A_558 = arith.constant 0 : i32
      %dma_start3A_559 = tpu.memref_slice %arg4[%add3A_545, %dma_start3A_557, %dma_start3A_558] : memref<16384x50x32xf32, #tpu.memory_space<hbm>> -> memref<1x50x32xf32, #tpu.memory_space<hbm>>
      %dma_start3A_560 = tpu.memref_squeeze %dma_start3A_559 : memref<1x50x32xf32, #tpu.memory_space<hbm>> -> memref<50x32xf32, #tpu.memory_space<hbm>>
      %dma_start3A_561 = arith.constant 0 : i32
      %dma_start3A_562 = arith.constant 0 : i32
      %dma_start3A_563 = tpu.memref_slice %arg6[%rem3A_437, %dma_start3A_561, %dma_start3A_562] : memref<2x800x32xf32, #tpu.memory_space<vmem>> -> memref<1x800x32xf32, #tpu.memory_space<vmem>>
      %dma_start3A_564 = tpu.memref_squeeze %dma_start3A_563 : memref<1x800x32xf32, #tpu.memory_space<vmem>> -> memref<800x32xf32, #tpu.memory_space<vmem>>
      %dma_start3A_565 = arith.constant 150 : i32
      %dma_start3A_566 = arith.constant 0 : i32
      %dma_start3A_567 = tpu.memref_slice %dma_start3A_564[%dma_start3A_565, %dma_start3A_566] : memref<800x32xf32, #tpu.memory_space<vmem>> -> memref<50x32xf32, #tpu.memory_space<vmem>>
      tpu.enqueue_dma source(%dma_start3A_567 : memref<50x32xf32, #tpu.memory_space<vmem>>) target(%dma_start3A_560 : memref<50x32xf32, #tpu.memory_space<hbm>>) target_semaphore(%arg8 : memref<!tpu.dma_semaphore, #tpu.memory_space<semaphore_mem>>)
      %mul3A_568 = arith.constant 16 : i32
      %mul3A_569 = arith.muli %scan3A_435, %mul3A_568 : i32
      %add3A_570 = arith.addi %mul3A_2, %mul3A_569 : i32
      %add3A_571 = arith.constant 4 : i32
      %add3A_572 = arith.addi %add3A_570, %add3A_571 : i32
      %dma_start3A_573 = arith.constant 0 : i32
      %dma_start3A_574 = arith.constant 0 : i32
      %dma_start3A_575 = tpu.memref_slice %arg6[%rem3A_437, %dma_start3A_573, %dma_start3A_574] : memref<2x800x32xf32, #tpu.memory_space<vmem>> -> memref<1x800x32xf32, #tpu.memory_space<vmem>>
      %dma_start3A_576 = tpu.memref_squeeze %dma_start3A_575 : memref<1x800x32xf32, #tpu.memory_space<vmem>> -> memref<800x32xf32, #tpu.memory_space<vmem>>
      %dma_start3A_577 = arith.constant 200 : i32
      %dma_start3A_578 = arith.constant 0 : i32
      %dma_start3A_579 = tpu.memref_slice %dma_start3A_576[%dma_start3A_577, %dma_start3A_578] : memref<800x32xf32, #tpu.memory_space<vmem>> -> memref<50x32xf32, #tpu.memory_space<vmem>>
      %dma_start3A_580 = arith.constant 0 : i32
      %dma_start3A_581 = arith.constant 0 : i32
      %dma_start3A_582 = tpu.memref_slice %arg4[%add3A_572, %dma_start3A_580, %dma_start3A_581] : memref<16384x50x32xf32, #tpu.memory_space<hbm>> -> memref<1x50x32xf32, #tpu.memory_space<hbm>>
      %dma_start3A_583 = tpu.memref_squeeze %dma_start3A_582 : memref<1x50x32xf32, #tpu.memory_space<hbm>> -> memref<50x32xf32, #tpu.memory_space<hbm>>
      %dma_start3A_584 = arith.constant 0 : i32
      %dma_start3A_585 = arith.constant 0 : i32
      %dma_start3A_586 = tpu.memref_slice %arg4[%add3A_572, %dma_start3A_584, %dma_start3A_585] : memref<16384x50x32xf32, #tpu.memory_space<hbm>> -> memref<1x50x32xf32, #tpu.memory_space<hbm>>
      %dma_start3A_587 = tpu.memref_squeeze %dma_start3A_586 : memref<1x50x32xf32, #tpu.memory_space<hbm>> -> memref<50x32xf32, #tpu.memory_space<hbm>>
      %dma_start3A_588 = arith.constant 0 : i32
      %dma_start3A_589 = arith.constant 0 : i32
      %dma_start3A_590 = tpu.memref_slice %arg6[%rem3A_437, %dma_start3A_588, %dma_start3A_589] : memref<2x800x32xf32, #tpu.memory_space<vmem>> -> memref<1x800x32xf32, #tpu.memory_space<vmem>>
      %dma_start3A_591 = tpu.memref_squeeze %dma_start3A_590 : memref<1x800x32xf32, #tpu.memory_space<vmem>> -> memref<800x32xf32, #tpu.memory_space<vmem>>
      %dma_start3A_592 = arith.constant 200 : i32
      %dma_start3A_593 = arith.constant 0 : i32
      %dma_start3A_594 = tpu.memref_slice %dma_start3A_591[%dma_start3A_592, %dma_start3A_593] : memref<800x32xf32, #tpu.memory_space<vmem>> -> memref<50x32xf32, #tpu.memory_space<vmem>>
      tpu.enqueue_dma source(%dma_start3A_594 : memref<50x32xf32, #tpu.memory_space<vmem>>) target(%dma_start3A_587 : memref<50x32xf32, #tpu.memory_space<hbm>>) target_semaphore(%arg8 : memref<!tpu.dma_semaphore, #tpu.memory_space<semaphore_mem>>)
      %mul3A_595 = arith.constant 16 : i32
      %mul3A_596 = arith.muli %scan3A_435, %mul3A_595 : i32
      %add3A_597 = arith.addi %mul3A_2, %mul3A_596 : i32
      %add3A_598 = arith.constant 5 : i32
      %add3A_599 = arith.addi %add3A_597, %add3A_598 : i32
      %dma_start3A_600 = arith.constant 0 : i32
      %dma_start3A_601 = arith.constant 0 : i32
      %dma_start3A_602 = tpu.memref_slice %arg6[%rem3A_437, %dma_start3A_600, %dma_start3A_601] : memref<2x800x32xf32, #tpu.memory_space<vmem>> -> memref<1x800x32xf32, #tpu.memory_space<vmem>>
      %dma_start3A_603 = tpu.memref_squeeze %dma_start3A_602 : memref<1x800x32xf32, #tpu.memory_space<vmem>> -> memref<800x32xf32, #tpu.memory_space<vmem>>
      %dma_start3A_604 = arith.constant 250 : i32
      %dma_start3A_605 = arith.constant 0 : i32
      %dma_start3A_606 = tpu.memref_slice %dma_start3A_603[%dma_start3A_604, %dma_start3A_605] : memref<800x32xf32, #tpu.memory_space<vmem>> -> memref<50x32xf32, #tpu.memory_space<vmem>>
      %dma_start3A_607 = arith.constant 0 : i32
      %dma_start3A_608 = arith.constant 0 : i32
      %dma_start3A_609 = tpu.memref_slice %arg4[%add3A_599, %dma_start3A_607, %dma_start3A_608] : memref<16384x50x32xf32, #tpu.memory_space<hbm>> -> memref<1x50x32xf32, #tpu.memory_space<hbm>>
      %dma_start3A_610 = tpu.memref_squeeze %dma_start3A_609 : memref<1x50x32xf32, #tpu.memory_space<hbm>> -> memref<50x32xf32, #tpu.memory_space<hbm>>
      %dma_start3A_611 = arith.constant 0 : i32
      %dma_start3A_612 = arith.constant 0 : i32
      %dma_start3A_613 = tpu.memref_slice %arg4[%add3A_599, %dma_start3A_611, %dma_start3A_612] : memref<16384x50x32xf32, #tpu.memory_space<hbm>> -> memref<1x50x32xf32, #tpu.memory_space<hbm>>
      %dma_start3A_614 = tpu.memref_squeeze %dma_start3A_613 : memref<1x50x32xf32, #tpu.memory_space<hbm>> -> memref<50x32xf32, #tpu.memory_space<hbm>>
      %dma_start3A_615 = arith.constant 0 : i32
      %dma_start3A_616 = arith.constant 0 : i32
      %dma_start3A_617 = tpu.memref_slice %arg6[%rem3A_437, %dma_start3A_615, %dma_start3A_616] : memref<2x800x32xf32, #tpu.memory_space<vmem>> -> memref<1x800x32xf32, #tpu.memory_space<vmem>>
      %dma_start3A_618 = tpu.memref_squeeze %dma_start3A_617 : memref<1x800x32xf32, #tpu.memory_space<vmem>> -> memref<800x32xf32, #tpu.memory_space<vmem>>
      %dma_start3A_619 = arith.constant 250 : i32
      %dma_start3A_620 = arith.constant 0 : i32
      %dma_start3A_621 = tpu.memref_slice %dma_start3A_618[%dma_start3A_619, %dma_start3A_620] : memref<800x32xf32, #tpu.memory_space<vmem>> -> memref<50x32xf32, #tpu.memory_space<vmem>>
      tpu.enqueue_dma source(%dma_start3A_621 : memref<50x32xf32, #tpu.memory_space<vmem>>) target(%dma_start3A_614 : memref<50x32xf32, #tpu.memory_space<hbm>>) target_semaphore(%arg8 : memref<!tpu.dma_semaphore, #tpu.memory_space<semaphore_mem>>)
      %mul3A_622 = arith.constant 16 : i32
      %mul3A_623 = arith.muli %scan3A_435, %mul3A_622 : i32
      %add3A_624 = arith.addi %mul3A_2, %mul3A_623 : i32
      %add3A_625 = arith.constant 6 : i32
      %add3A_626 = arith.addi %add3A_624, %add3A_625 : i32
      %dma_start3A_627 = arith.constant 0 : i32
      %dma_start3A_628 = arith.constant 0 : i32
      %dma_start3A_629 = tpu.memref_slice %arg6[%rem3A_437, %dma_start3A_627, %dma_start3A_628] : memref<2x800x32xf32, #tpu.memory_space<vmem>> -> memref<1x800x32xf32, #tpu.memory_space<vmem>>
      %dma_start3A_630 = tpu.memref_squeeze %dma_start3A_629 : memref<1x800x32xf32, #tpu.memory_space<vmem>> -> memref<800x32xf32, #tpu.memory_space<vmem>>
      %dma_start3A_631 = arith.constant 300 : i32
      %dma_start3A_632 = arith.constant 0 : i32
      %dma_start3A_633 = tpu.memref_slice %dma_start3A_630[%dma_start3A_631, %dma_start3A_632] : memref<800x32xf32, #tpu.memory_space<vmem>> -> memref<50x32xf32, #tpu.memory_space<vmem>>
      %dma_start3A_634 = arith.constant 0 : i32
      %dma_start3A_635 = arith.constant 0 : i32
      %dma_start3A_636 = tpu.memref_slice %arg4[%add3A_626, %dma_start3A_634, %dma_start3A_635] : memref<16384x50x32xf32, #tpu.memory_space<hbm>> -> memref<1x50x32xf32, #tpu.memory_space<hbm>>
      %dma_start3A_637 = tpu.memref_squeeze %dma_start3A_636 : memref<1x50x32xf32, #tpu.memory_space<hbm>> -> memref<50x32xf32, #tpu.memory_space<hbm>>
      %dma_start3A_638 = arith.constant 0 : i32
      %dma_start3A_639 = arith.constant 0 : i32
      %dma_start3A_640 = tpu.memref_slice %arg4[%add3A_626, %dma_start3A_638, %dma_start3A_639] : memref<16384x50x32xf32, #tpu.memory_space<hbm>> -> memref<1x50x32xf32, #tpu.memory_space<hbm>>
      %dma_start3A_641 = tpu.memref_squeeze %dma_start3A_640 : memref<1x50x32xf32, #tpu.memory_space<hbm>> -> memref<50x32xf32, #tpu.memory_space<hbm>>
      %dma_start3A_642 = arith.constant 0 : i32
      %dma_start3A_643 = arith.constant 0 : i32
      %dma_start3A_644 = tpu.memref_slice %arg6[%rem3A_437, %dma_start3A_642, %dma_start3A_643] : memref<2x800x32xf32, #tpu.memory_space<vmem>> -> memref<1x800x32xf32, #tpu.memory_space<vmem>>
      %dma_start3A_645 = tpu.memref_squeeze %dma_start3A_644 : memref<1x800x32xf32, #tpu.memory_space<vmem>> -> memref<800x32xf32, #tpu.memory_space<vmem>>
      %dma_start3A_646 = arith.constant 300 : i32
      %dma_start3A_647 = arith.constant 0 : i32
      %dma_start3A_648 = tpu.memref_slice %dma_start3A_645[%dma_start3A_646, %dma_start3A_647] : memref<800x32xf32, #tpu.memory_space<vmem>> -> memref<50x32xf32, #tpu.memory_space<vmem>>
      tpu.enqueue_dma source(%dma_start3A_648 : memref<50x32xf32, #tpu.memory_space<vmem>>) target(%dma_start3A_641 : memref<50x32xf32, #tpu.memory_space<hbm>>) target_semaphore(%arg8 : memref<!tpu.dma_semaphore, #tpu.memory_space<semaphore_mem>>)
      %mul3A_649 = arith.constant 16 : i32
      %mul3A_650 = arith.muli %scan3A_435, %mul3A_649 : i32
      %add3A_651 = arith.addi %mul3A_2, %mul3A_650 : i32
      %add3A_652 = arith.constant 7 : i32
      %add3A_653 = arith.addi %add3A_651, %add3A_652 : i32
      %dma_start3A_654 = arith.constant 0 : i32
      %dma_start3A_655 = arith.constant 0 : i32
      %dma_start3A_656 = tpu.memref_slice %arg6[%rem3A_437, %dma_start3A_654, %dma_start3A_655] : memref<2x800x32xf32, #tpu.memory_space<vmem>> -> memref<1x800x32xf32, #tpu.memory_space<vmem>>
      %dma_start3A_657 = tpu.memref_squeeze %dma_start3A_656 : memref<1x800x32xf32, #tpu.memory_space<vmem>> -> memref<800x32xf32, #tpu.memory_space<vmem>>
      %dma_start3A_658 = arith.constant 350 : i32
      %dma_start3A_659 = arith.constant 0 : i32
      %dma_start3A_660 = tpu.memref_slice %dma_start3A_657[%dma_start3A_658, %dma_start3A_659] : memref<800x32xf32, #tpu.memory_space<vmem>> -> memref<50x32xf32, #tpu.memory_space<vmem>>
      %dma_start3A_661 = arith.constant 0 : i32
      %dma_start3A_662 = arith.constant 0 : i32
      %dma_start3A_663 = tpu.memref_slice %arg4[%add3A_653, %dma_start3A_661, %dma_start3A_662] : memref<16384x50x32xf32, #tpu.memory_space<hbm>> -> memref<1x50x32xf32, #tpu.memory_space<hbm>>
      %dma_start3A_664 = tpu.memref_squeeze %dma_start3A_663 : memref<1x50x32xf32, #tpu.memory_space<hbm>> -> memref<50x32xf32, #tpu.memory_space<hbm>>
      %dma_start3A_665 = arith.constant 0 : i32
      %dma_start3A_666 = arith.constant 0 : i32
      %dma_start3A_667 = tpu.memref_slice %arg4[%add3A_653, %dma_start3A_665, %dma_start3A_666] : memref<16384x50x32xf32, #tpu.memory_space<hbm>> -> memref<1x50x32xf32, #tpu.memory_space<hbm>>
      %dma_start3A_668 = tpu.memref_squeeze %dma_start3A_667 : memref<1x50x32xf32, #tpu.memory_space<hbm>> -> memref<50x32xf32, #tpu.memory_space<hbm>>
      %dma_start3A_669 = arith.constant 0 : i32
      %dma_start3A_670 = arith.constant 0 : i32
      %dma_start3A_671 = tpu.memref_slice %arg6[%rem3A_437, %dma_start3A_669, %dma_start3A_670] : memref<2x800x32xf32, #tpu.memory_space<vmem>> -> memref<1x800x32xf32, #tpu.memory_space<vmem>>
      %dma_start3A_672 = tpu.memref_squeeze %dma_start3A_671 : memref<1x800x32xf32, #tpu.memory_space<vmem>> -> memref<800x32xf32, #tpu.memory_space<vmem>>
      %dma_start3A_673 = arith.constant 350 : i32
      %dma_start3A_674 = arith.constant 0 : i32
      %dma_start3A_675 = tpu.memref_slice %dma_start3A_672[%dma_start3A_673, %dma_start3A_674] : memref<800x32xf32, #tpu.memory_space<vmem>> -> memref<50x32xf32, #tpu.memory_space<vmem>>
      tpu.enqueue_dma source(%dma_start3A_675 : memref<50x32xf32, #tpu.memory_space<vmem>>) target(%dma_start3A_668 : memref<50x32xf32, #tpu.memory_space<hbm>>) target_semaphore(%arg8 : memref<!tpu.dma_semaphore, #tpu.memory_space<semaphore_mem>>)
      %mul3A_676 = arith.constant 16 : i32
      %mul3A_677 = arith.muli %scan3A_435, %mul3A_676 : i32
      %add3A_678 = arith.addi %mul3A_2, %mul3A_677 : i32
      %add3A_679 = arith.constant 8 : i32
      %add3A_680 = arith.addi %add3A_678, %add3A_679 : i32
      %dma_start3A_681 = arith.constant 0 : i32
      %dma_start3A_682 = arith.constant 0 : i32
      %dma_start3A_683 = tpu.memref_slice %arg6[%rem3A_437, %dma_start3A_681, %dma_start3A_682] : memref<2x800x32xf32, #tpu.memory_space<vmem>> -> memref<1x800x32xf32, #tpu.memory_space<vmem>>
      %dma_start3A_684 = tpu.memref_squeeze %dma_start3A_683 : memref<1x800x32xf32, #tpu.memory_space<vmem>> -> memref<800x32xf32, #tpu.memory_space<vmem>>
      %dma_start3A_685 = arith.constant 400 : i32
      %dma_start3A_686 = arith.constant 0 : i32
      %dma_start3A_687 = tpu.memref_slice %dma_start3A_684[%dma_start3A_685, %dma_start3A_686] : memref<800x32xf32, #tpu.memory_space<vmem>> -> memref<50x32xf32, #tpu.memory_space<vmem>>
      %dma_start3A_688 = arith.constant 0 : i32
      %dma_start3A_689 = arith.constant 0 : i32
      %dma_start3A_690 = tpu.memref_slice %arg4[%add3A_680, %dma_start3A_688, %dma_start3A_689] : memref<16384x50x32xf32, #tpu.memory_space<hbm>> -> memref<1x50x32xf32, #tpu.memory_space<hbm>>
      %dma_start3A_691 = tpu.memref_squeeze %dma_start3A_690 : memref<1x50x32xf32, #tpu.memory_space<hbm>> -> memref<50x32xf32, #tpu.memory_space<hbm>>
      %dma_start3A_692 = arith.constant 0 : i32
      %dma_start3A_693 = arith.constant 0 : i32
      %dma_start3A_694 = tpu.memref_slice %arg4[%add3A_680, %dma_start3A_692, %dma_start3A_693] : memref<16384x50x32xf32, #tpu.memory_space<hbm>> -> memref<1x50x32xf32, #tpu.memory_space<hbm>>
      %dma_start3A_695 = tpu.memref_squeeze %dma_start3A_694 : memref<1x50x32xf32, #tpu.memory_space<hbm>> -> memref<50x32xf32, #tpu.memory_space<hbm>>
      %dma_start3A_696 = arith.constant 0 : i32
      %dma_start3A_697 = arith.constant 0 : i32
      %dma_start3A_698 = tpu.memref_slice %arg6[%rem3A_437, %dma_start3A_696, %dma_start3A_697] : memref<2x800x32xf32, #tpu.memory_space<vmem>> -> memref<1x800x32xf32, #tpu.memory_space<vmem>>
      %dma_start3A_699 = tpu.memref_squeeze %dma_start3A_698 : memref<1x800x32xf32, #tpu.memory_space<vmem>> -> memref<800x32xf32, #tpu.memory_space<vmem>>
      %dma_start3A_700 = arith.constant 400 : i32
      %dma_start3A_701 = arith.constant 0 : i32
      %dma_start3A_702 = tpu.memref_slice %dma_start3A_699[%dma_start3A_700, %dma_start3A_701] : memref<800x32xf32, #tpu.memory_space<vmem>> -> memref<50x32xf32, #tpu.memory_space<vmem>>
      tpu.enqueue_dma source(%dma_start3A_702 : memref<50x32xf32, #tpu.memory_space<vmem>>) target(%dma_start3A_695 : memref<50x32xf32, #tpu.memory_space<hbm>>) target_semaphore(%arg8 : memref<!tpu.dma_semaphore, #tpu.memory_space<semaphore_mem>>)
      %mul3A_703 = arith.constant 16 : i32
      %mul3A_704 = arith.muli %scan3A_435, %mul3A_703 : i32
      %add3A_705 = arith.addi %mul3A_2, %mul3A_704 : i32
      %add3A_706 = arith.constant 9 : i32
      %add3A_707 = arith.addi %add3A_705, %add3A_706 : i32
      %dma_start3A_708 = arith.constant 0 : i32
      %dma_start3A_709 = arith.constant 0 : i32
      %dma_start3A_710 = tpu.memref_slice %arg6[%rem3A_437, %dma_start3A_708, %dma_start3A_709] : memref<2x800x32xf32, #tpu.memory_space<vmem>> -> memref<1x800x32xf32, #tpu.memory_space<vmem>>
      %dma_start3A_711 = tpu.memref_squeeze %dma_start3A_710 : memref<1x800x32xf32, #tpu.memory_space<vmem>> -> memref<800x32xf32, #tpu.memory_space<vmem>>
      %dma_start3A_712 = arith.constant 450 : i32
      %dma_start3A_713 = arith.constant 0 : i32
      %dma_start3A_714 = tpu.memref_slice %dma_start3A_711[%dma_start3A_712, %dma_start3A_713] : memref<800x32xf32, #tpu.memory_space<vmem>> -> memref<50x32xf32, #tpu.memory_space<vmem>>
      %dma_start3A_715 = arith.constant 0 : i32
      %dma_start3A_716 = arith.constant 0 : i32
      %dma_start3A_717 = tpu.memref_slice %arg4[%add3A_707, %dma_start3A_715, %dma_start3A_716] : memref<16384x50x32xf32, #tpu.memory_space<hbm>> -> memref<1x50x32xf32, #tpu.memory_space<hbm>>
      %dma_start3A_718 = tpu.memref_squeeze %dma_start3A_717 : memref<1x50x32xf32, #tpu.memory_space<hbm>> -> memref<50x32xf32, #tpu.memory_space<hbm>>
      %dma_start3A_719 = arith.constant 0 : i32
      %dma_start3A_720 = arith.constant 0 : i32
      %dma_start3A_721 = tpu.memref_slice %arg4[%add3A_707, %dma_start3A_719, %dma_start3A_720] : memref<16384x50x32xf32, #tpu.memory_space<hbm>> -> memref<1x50x32xf32, #tpu.memory_space<hbm>>
      %dma_start3A_722 = tpu.memref_squeeze %dma_start3A_721 : memref<1x50x32xf32, #tpu.memory_space<hbm>> -> memref<50x32xf32, #tpu.memory_space<hbm>>
      %dma_start3A_723 = arith.constant 0 : i32
      %dma_start3A_724 = arith.constant 0 : i32
      %dma_start3A_725 = tpu.memref_slice %arg6[%rem3A_437, %dma_start3A_723, %dma_start3A_724] : memref<2x800x32xf32, #tpu.memory_space<vmem>> -> memref<1x800x32xf32, #tpu.memory_space<vmem>>
      %dma_start3A_726 = tpu.memref_squeeze %dma_start3A_725 : memref<1x800x32xf32, #tpu.memory_space<vmem>> -> memref<800x32xf32, #tpu.memory_space<vmem>>
      %dma_start3A_727 = arith.constant 450 : i32
      %dma_start3A_728 = arith.constant 0 : i32
      %dma_start3A_729 = tpu.memref_slice %dma_start3A_726[%dma_start3A_727, %dma_start3A_728] : memref<800x32xf32, #tpu.memory_space<vmem>> -> memref<50x32xf32, #tpu.memory_space<vmem>>
      tpu.enqueue_dma source(%dma_start3A_729 : memref<50x32xf32, #tpu.memory_space<vmem>>) target(%dma_start3A_722 : memref<50x32xf32, #tpu.memory_space<hbm>>) target_semaphore(%arg8 : memref<!tpu.dma_semaphore, #tpu.memory_space<semaphore_mem>>)
      %mul3A_730 = arith.constant 16 : i32
      %mul3A_731 = arith.muli %scan3A_435, %mul3A_730 : i32
      %add3A_732 = arith.addi %mul3A_2, %mul3A_731 : i32
      %add3A_733 = arith.constant 10 : i32
      %add3A_734 = arith.addi %add3A_732, %add3A_733 : i32
      %dma_start3A_735 = arith.constant 0 : i32
      %dma_start3A_736 = arith.constant 0 : i32
      %dma_start3A_737 = tpu.memref_slice %arg6[%rem3A_437, %dma_start3A_735, %dma_start3A_736] : memref<2x800x32xf32, #tpu.memory_space<vmem>> -> memref<1x800x32xf32, #tpu.memory_space<vmem>>
      %dma_start3A_738 = tpu.memref_squeeze %dma_start3A_737 : memref<1x800x32xf32, #tpu.memory_space<vmem>> -> memref<800x32xf32, #tpu.memory_space<vmem>>
      %dma_start3A_739 = arith.constant 500 : i32
      %dma_start3A_740 = arith.constant 0 : i32
      %dma_start3A_741 = tpu.memref_slice %dma_start3A_738[%dma_start3A_739, %dma_start3A_740] : memref<800x32xf32, #tpu.memory_space<vmem>> -> memref<50x32xf32, #tpu.memory_space<vmem>>
      %dma_start3A_742 = arith.constant 0 : i32
      %dma_start3A_743 = arith.constant 0 : i32
      %dma_start3A_744 = tpu.memref_slice %arg4[%add3A_734, %dma_start3A_742, %dma_start3A_743] : memref<16384x50x32xf32, #tpu.memory_space<hbm>> -> memref<1x50x32xf32, #tpu.memory_space<hbm>>
      %dma_start3A_745 = tpu.memref_squeeze %dma_start3A_744 : memref<1x50x32xf32, #tpu.memory_space<hbm>> -> memref<50x32xf32, #tpu.memory_space<hbm>>
      %dma_start3A_746 = arith.constant 0 : i32
      %dma_start3A_747 = arith.constant 0 : i32
      %dma_start3A_748 = tpu.memref_slice %arg4[%add3A_734, %dma_start3A_746, %dma_start3A_747] : memref<16384x50x32xf32, #tpu.memory_space<hbm>> -> memref<1x50x32xf32, #tpu.memory_space<hbm>>
      %dma_start3A_749 = tpu.memref_squeeze %dma_start3A_748 : memref<1x50x32xf32, #tpu.memory_space<hbm>> -> memref<50x32xf32, #tpu.memory_space<hbm>>
      %dma_start3A_750 = arith.constant 0 : i32
      %dma_start3A_751 = arith.constant 0 : i32
      %dma_start3A_752 = tpu.memref_slice %arg6[%rem3A_437, %dma_start3A_750, %dma_start3A_751] : memref<2x800x32xf32, #tpu.memory_space<vmem>> -> memref<1x800x32xf32, #tpu.memory_space<vmem>>
      %dma_start3A_753 = tpu.memref_squeeze %dma_start3A_752 : memref<1x800x32xf32, #tpu.memory_space<vmem>> -> memref<800x32xf32, #tpu.memory_space<vmem>>
      %dma_start3A_754 = arith.constant 500 : i32
      %dma_start3A_755 = arith.constant 0 : i32
      %dma_start3A_756 = tpu.memref_slice %dma_start3A_753[%dma_start3A_754, %dma_start3A_755] : memref<800x32xf32, #tpu.memory_space<vmem>> -> memref<50x32xf32, #tpu.memory_space<vmem>>
      tpu.enqueue_dma source(%dma_start3A_756 : memref<50x32xf32, #tpu.memory_space<vmem>>) target(%dma_start3A_749 : memref<50x32xf32, #tpu.memory_space<hbm>>) target_semaphore(%arg8 : memref<!tpu.dma_semaphore, #tpu.memory_space<semaphore_mem>>)
      %mul3A_757 = arith.constant 16 : i32
      %mul3A_758 = arith.muli %scan3A_435, %mul3A_757 : i32
      %add3A_759 = arith.addi %mul3A_2, %mul3A_758 : i32
      %add3A_760 = arith.constant 11 : i32
      %add3A_761 = arith.addi %add3A_759, %add3A_760 : i32
      %dma_start3A_762 = arith.constant 0 : i32
      %dma_start3A_763 = arith.constant 0 : i32
      %dma_start3A_764 = tpu.memref_slice %arg6[%rem3A_437, %dma_start3A_762, %dma_start3A_763] : memref<2x800x32xf32, #tpu.memory_space<vmem>> -> memref<1x800x32xf32, #tpu.memory_space<vmem>>
      %dma_start3A_765 = tpu.memref_squeeze %dma_start3A_764 : memref<1x800x32xf32, #tpu.memory_space<vmem>> -> memref<800x32xf32, #tpu.memory_space<vmem>>
      %dma_start3A_766 = arith.constant 550 : i32
      %dma_start3A_767 = arith.constant 0 : i32
      %dma_start3A_768 = tpu.memref_slice %dma_start3A_765[%dma_start3A_766, %dma_start3A_767] : memref<800x32xf32, #tpu.memory_space<vmem>> -> memref<50x32xf32, #tpu.memory_space<vmem>>
      %dma_start3A_769 = arith.constant 0 : i32
      %dma_start3A_770 = arith.constant 0 : i32
      %dma_start3A_771 = tpu.memref_slice %arg4[%add3A_761, %dma_start3A_769, %dma_start3A_770] : memref<16384x50x32xf32, #tpu.memory_space<hbm>> -> memref<1x50x32xf32, #tpu.memory_space<hbm>>
      %dma_start3A_772 = tpu.memref_squeeze %dma_start3A_771 : memref<1x50x32xf32, #tpu.memory_space<hbm>> -> memref<50x32xf32, #tpu.memory_space<hbm>>
      %dma_start3A_773 = arith.constant 0 : i32
      %dma_start3A_774 = arith.constant 0 : i32
      %dma_start3A_775 = tpu.memref_slice %arg4[%add3A_761, %dma_start3A_773, %dma_start3A_774] : memref<16384x50x32xf32, #tpu.memory_space<hbm>> -> memref<1x50x32xf32, #tpu.memory_space<hbm>>
      %dma_start3A_776 = tpu.memref_squeeze %dma_start3A_775 : memref<1x50x32xf32, #tpu.memory_space<hbm>> -> memref<50x32xf32, #tpu.memory_space<hbm>>
      %dma_start3A_777 = arith.constant 0 : i32
      %dma_start3A_778 = arith.constant 0 : i32
      %dma_start3A_779 = tpu.memref_slice %arg6[%rem3A_437, %dma_start3A_777, %dma_start3A_778] : memref<2x800x32xf32, #tpu.memory_space<vmem>> -> memref<1x800x32xf32, #tpu.memory_space<vmem>>
      %dma_start3A_780 = tpu.memref_squeeze %dma_start3A_779 : memref<1x800x32xf32, #tpu.memory_space<vmem>> -> memref<800x32xf32, #tpu.memory_space<vmem>>
      %dma_start3A_781 = arith.constant 550 : i32
      %dma_start3A_782 = arith.constant 0 : i32
      %dma_start3A_783 = tpu.memref_slice %dma_start3A_780[%dma_start3A_781, %dma_start3A_782] : memref<800x32xf32, #tpu.memory_space<vmem>> -> memref<50x32xf32, #tpu.memory_space<vmem>>
      tpu.enqueue_dma source(%dma_start3A_783 : memref<50x32xf32, #tpu.memory_space<vmem>>) target(%dma_start3A_776 : memref<50x32xf32, #tpu.memory_space<hbm>>) target_semaphore(%arg8 : memref<!tpu.dma_semaphore, #tpu.memory_space<semaphore_mem>>)
      %mul3A_784 = arith.constant 16 : i32
      %mul3A_785 = arith.muli %scan3A_435, %mul3A_784 : i32
      %add3A_786 = arith.addi %mul3A_2, %mul3A_785 : i32
      %add3A_787 = arith.constant 12 : i32
      %add3A_788 = arith.addi %add3A_786, %add3A_787 : i32
      %dma_start3A_789 = arith.constant 0 : i32
      %dma_start3A_790 = arith.constant 0 : i32
      %dma_start3A_791 = tpu.memref_slice %arg6[%rem3A_437, %dma_start3A_789, %dma_start3A_790] : memref<2x800x32xf32, #tpu.memory_space<vmem>> -> memref<1x800x32xf32, #tpu.memory_space<vmem>>
      %dma_start3A_792 = tpu.memref_squeeze %dma_start3A_791 : memref<1x800x32xf32, #tpu.memory_space<vmem>> -> memref<800x32xf32, #tpu.memory_space<vmem>>
      %dma_start3A_793 = arith.constant 600 : i32
      %dma_start3A_794 = arith.constant 0 : i32
      %dma_start3A_795 = tpu.memref_slice %dma_start3A_792[%dma_start3A_793, %dma_start3A_794] : memref<800x32xf32, #tpu.memory_space<vmem>> -> memref<50x32xf32, #tpu.memory_space<vmem>>
      %dma_start3A_796 = arith.constant 0 : i32
      %dma_start3A_797 = arith.constant 0 : i32
      %dma_start3A_798 = tpu.memref_slice %arg4[%add3A_788, %dma_start3A_796, %dma_start3A_797] : memref<16384x50x32xf32, #tpu.memory_space<hbm>> -> memref<1x50x32xf32, #tpu.memory_space<hbm>>
      %dma_start3A_799 = tpu.memref_squeeze %dma_start3A_798 : memref<1x50x32xf32, #tpu.memory_space<hbm>> -> memref<50x32xf32, #tpu.memory_space<hbm>>
      %dma_start3A_800 = arith.constant 0 : i32
      %dma_start3A_801 = arith.constant 0 : i32
      %dma_start3A_802 = tpu.memref_slice %arg4[%add3A_788, %dma_start3A_800, %dma_start3A_801] : memref<16384x50x32xf32, #tpu.memory_space<hbm>> -> memref<1x50x32xf32, #tpu.memory_space<hbm>>
      %dma_start3A_803 = tpu.memref_squeeze %dma_start3A_802 : memref<1x50x32xf32, #tpu.memory_space<hbm>> -> memref<50x32xf32, #tpu.memory_space<hbm>>
      %dma_start3A_804 = arith.constant 0 : i32
      %dma_start3A_805 = arith.constant 0 : i32
      %dma_start3A_806 = tpu.memref_slice %arg6[%rem3A_437, %dma_start3A_804, %dma_start3A_805] : memref<2x800x32xf32, #tpu.memory_space<vmem>> -> memref<1x800x32xf32, #tpu.memory_space<vmem>>
      %dma_start3A_807 = tpu.memref_squeeze %dma_start3A_806 : memref<1x800x32xf32, #tpu.memory_space<vmem>> -> memref<800x32xf32, #tpu.memory_space<vmem>>
      %dma_start3A_808 = arith.constant 600 : i32
      %dma_start3A_809 = arith.constant 0 : i32
      %dma_start3A_810 = tpu.memref_slice %dma_start3A_807[%dma_start3A_808, %dma_start3A_809] : memref<800x32xf32, #tpu.memory_space<vmem>> -> memref<50x32xf32, #tpu.memory_space<vmem>>
      tpu.enqueue_dma source(%dma_start3A_810 : memref<50x32xf32, #tpu.memory_space<vmem>>) target(%dma_start3A_803 : memref<50x32xf32, #tpu.memory_space<hbm>>) target_semaphore(%arg8 : memref<!tpu.dma_semaphore, #tpu.memory_space<semaphore_mem>>)
      %mul3A_811 = arith.constant 16 : i32
      %mul3A_812 = arith.muli %scan3A_435, %mul3A_811 : i32
      %add3A_813 = arith.addi %mul3A_2, %mul3A_812 : i32
      %add3A_814 = arith.constant 13 : i32
      %add3A_815 = arith.addi %add3A_813, %add3A_814 : i32
      %dma_start3A_816 = arith.constant 0 : i32
      %dma_start3A_817 = arith.constant 0 : i32
      %dma_start3A_818 = tpu.memref_slice %arg6[%rem3A_437, %dma_start3A_816, %dma_start3A_817] : memref<2x800x32xf32, #tpu.memory_space<vmem>> -> memref<1x800x32xf32, #tpu.memory_space<vmem>>
      %dma_start3A_819 = tpu.memref_squeeze %dma_start3A_818 : memref<1x800x32xf32, #tpu.memory_space<vmem>> -> memref<800x32xf32, #tpu.memory_space<vmem>>
      %dma_start3A_820 = arith.constant 650 : i32
      %dma_start3A_821 = arith.constant 0 : i32
      %dma_start3A_822 = tpu.memref_slice %dma_start3A_819[%dma_start3A_820, %dma_start3A_821] : memref<800x32xf32, #tpu.memory_space<vmem>> -> memref<50x32xf32, #tpu.memory_space<vmem>>
      %dma_start3A_823 = arith.constant 0 : i32
      %dma_start3A_824 = arith.constant 0 : i32
      %dma_start3A_825 = tpu.memref_slice %arg4[%add3A_815, %dma_start3A_823, %dma_start3A_824] : memref<16384x50x32xf32, #tpu.memory_space<hbm>> -> memref<1x50x32xf32, #tpu.memory_space<hbm>>
      %dma_start3A_826 = tpu.memref_squeeze %dma_start3A_825 : memref<1x50x32xf32, #tpu.memory_space<hbm>> -> memref<50x32xf32, #tpu.memory_space<hbm>>
      %dma_start3A_827 = arith.constant 0 : i32
      %dma_start3A_828 = arith.constant 0 : i32
      %dma_start3A_829 = tpu.memref_slice %arg4[%add3A_815, %dma_start3A_827, %dma_start3A_828] : memref<16384x50x32xf32, #tpu.memory_space<hbm>> -> memref<1x50x32xf32, #tpu.memory_space<hbm>>
      %dma_start3A_830 = tpu.memref_squeeze %dma_start3A_829 : memref<1x50x32xf32, #tpu.memory_space<hbm>> -> memref<50x32xf32, #tpu.memory_space<hbm>>
      %dma_start3A_831 = arith.constant 0 : i32
      %dma_start3A_832 = arith.constant 0 : i32
      %dma_start3A_833 = tpu.memref_slice %arg6[%rem3A_437, %dma_start3A_831, %dma_start3A_832] : memref<2x800x32xf32, #tpu.memory_space<vmem>> -> memref<1x800x32xf32, #tpu.memory_space<vmem>>
      %dma_start3A_834 = tpu.memref_squeeze %dma_start3A_833 : memref<1x800x32xf32, #tpu.memory_space<vmem>> -> memref<800x32xf32, #tpu.memory_space<vmem>>
      %dma_start3A_835 = arith.constant 650 : i32
      %dma_start3A_836 = arith.constant 0 : i32
      %dma_start3A_837 = tpu.memref_slice %dma_start3A_834[%dma_start3A_835, %dma_start3A_836] : memref<800x32xf32, #tpu.memory_space<vmem>> -> memref<50x32xf32, #tpu.memory_space<vmem>>
      tpu.enqueue_dma source(%dma_start3A_837 : memref<50x32xf32, #tpu.memory_space<vmem>>) target(%dma_start3A_830 : memref<50x32xf32, #tpu.memory_space<hbm>>) target_semaphore(%arg8 : memref<!tpu.dma_semaphore, #tpu.memory_space<semaphore_mem>>)
      %mul3A_838 = arith.constant 16 : i32
      %mul3A_839 = arith.muli %scan3A_435, %mul3A_838 : i32
      %add3A_840 = arith.addi %mul3A_2, %mul3A_839 : i32
      %add3A_841 = arith.constant 14 : i32
      %add3A_842 = arith.addi %add3A_840, %add3A_841 : i32
      %dma_start3A_843 = arith.constant 0 : i32
      %dma_start3A_844 = arith.constant 0 : i32
      %dma_start3A_845 = tpu.memref_slice %arg6[%rem3A_437, %dma_start3A_843, %dma_start3A_844] : memref<2x800x32xf32, #tpu.memory_space<vmem>> -> memref<1x800x32xf32, #tpu.memory_space<vmem>>
      %dma_start3A_846 = tpu.memref_squeeze %dma_start3A_845 : memref<1x800x32xf32, #tpu.memory_space<vmem>> -> memref<800x32xf32, #tpu.memory_space<vmem>>
      %dma_start3A_847 = arith.constant 700 : i32
      %dma_start3A_848 = arith.constant 0 : i32
      %dma_start3A_849 = tpu.memref_slice %dma_start3A_846[%dma_start3A_847, %dma_start3A_848] : memref<800x32xf32, #tpu.memory_space<vmem>> -> memref<50x32xf32, #tpu.memory_space<vmem>>
      %dma_start3A_850 = arith.constant 0 : i32
      %dma_start3A_851 = arith.constant 0 : i32
      %dma_start3A_852 = tpu.memref_slice %arg4[%add3A_842, %dma_start3A_850, %dma_start3A_851] : memref<16384x50x32xf32, #tpu.memory_space<hbm>> -> memref<1x50x32xf32, #tpu.memory_space<hbm>>
      %dma_start3A_853 = tpu.memref_squeeze %dma_start3A_852 : memref<1x50x32xf32, #tpu.memory_space<hbm>> -> memref<50x32xf32, #tpu.memory_space<hbm>>
      %dma_start3A_854 = arith.constant 0 : i32
      %dma_start3A_855 = arith.constant 0 : i32
      %dma_start3A_856 = tpu.memref_slice %arg4[%add3A_842, %dma_start3A_854, %dma_start3A_855] : memref<16384x50x32xf32, #tpu.memory_space<hbm>> -> memref<1x50x32xf32, #tpu.memory_space<hbm>>
      %dma_start3A_857 = tpu.memref_squeeze %dma_start3A_856 : memref<1x50x32xf32, #tpu.memory_space<hbm>> -> memref<50x32xf32, #tpu.memory_space<hbm>>
      %dma_start3A_858 = arith.constant 0 : i32
      %dma_start3A_859 = arith.constant 0 : i32
      %dma_start3A_860 = tpu.memref_slice %arg6[%rem3A_437, %dma_start3A_858, %dma_start3A_859] : memref<2x800x32xf32, #tpu.memory_space<vmem>> -> memref<1x800x32xf32, #tpu.memory_space<vmem>>
      %dma_start3A_861 = tpu.memref_squeeze %dma_start3A_860 : memref<1x800x32xf32, #tpu.memory_space<vmem>> -> memref<800x32xf32, #tpu.memory_space<vmem>>
      %dma_start3A_862 = arith.constant 700 : i32
      %dma_start3A_863 = arith.constant 0 : i32
      %dma_start3A_864 = tpu.memref_slice %dma_start3A_861[%dma_start3A_862, %dma_start3A_863] : memref<800x32xf32, #tpu.memory_space<vmem>> -> memref<50x32xf32, #tpu.memory_space<vmem>>
      tpu.enqueue_dma source(%dma_start3A_864 : memref<50x32xf32, #tpu.memory_space<vmem>>) target(%dma_start3A_857 : memref<50x32xf32, #tpu.memory_space<hbm>>) target_semaphore(%arg8 : memref<!tpu.dma_semaphore, #tpu.memory_space<semaphore_mem>>)
      %mul3A_865 = arith.constant 16 : i32
      %mul3A_866 = arith.muli %scan3A_435, %mul3A_865 : i32
      %add3A_867 = arith.addi %mul3A_2, %mul3A_866 : i32
      %add3A_868 = arith.constant 15 : i32
      %add3A_869 = arith.addi %add3A_867, %add3A_868 : i32
      %dma_start3A_870 = arith.constant 0 : i32
      %dma_start3A_871 = arith.constant 0 : i32
      %dma_start3A_872 = tpu.memref_slice %arg6[%rem3A_437, %dma_start3A_870, %dma_start3A_871] : memref<2x800x32xf32, #tpu.memory_space<vmem>> -> memref<1x800x32xf32, #tpu.memory_space<vmem>>
      %dma_start3A_873 = tpu.memref_squeeze %dma_start3A_872 : memref<1x800x32xf32, #tpu.memory_space<vmem>> -> memref<800x32xf32, #tpu.memory_space<vmem>>
      %dma_start3A_874 = arith.constant 750 : i32
      %dma_start3A_875 = arith.constant 0 : i32
      %dma_start3A_876 = tpu.memref_slice %dma_start3A_873[%dma_start3A_874, %dma_start3A_875] : memref<800x32xf32, #tpu.memory_space<vmem>> -> memref<50x32xf32, #tpu.memory_space<vmem>>
      %dma_start3A_877 = arith.constant 0 : i32
      %dma_start3A_878 = arith.constant 0 : i32
      %dma_start3A_879 = tpu.memref_slice %arg4[%add3A_869, %dma_start3A_877, %dma_start3A_878] : memref<16384x50x32xf32, #tpu.memory_space<hbm>> -> memref<1x50x32xf32, #tpu.memory_space<hbm>>
      %dma_start3A_880 = tpu.memref_squeeze %dma_start3A_879 : memref<1x50x32xf32, #tpu.memory_space<hbm>> -> memref<50x32xf32, #tpu.memory_space<hbm>>
      %dma_start3A_881 = arith.constant 0 : i32
      %dma_start3A_882 = arith.constant 0 : i32
      %dma_start3A_883 = tpu.memref_slice %arg4[%add3A_869, %dma_start3A_881, %dma_start3A_882] : memref<16384x50x32xf32, #tpu.memory_space<hbm>> -> memref<1x50x32xf32, #tpu.memory_space<hbm>>
      %dma_start3A_884 = tpu.memref_squeeze %dma_start3A_883 : memref<1x50x32xf32, #tpu.memory_space<hbm>> -> memref<50x32xf32, #tpu.memory_space<hbm>>
      %dma_start3A_885 = arith.constant 0 : i32
      %dma_start3A_886 = arith.constant 0 : i32
      %dma_start3A_887 = tpu.memref_slice %arg6[%rem3A_437, %dma_start3A_885, %dma_start3A_886] : memref<2x800x32xf32, #tpu.memory_space<vmem>> -> memref<1x800x32xf32, #tpu.memory_space<vmem>>
      %dma_start3A_888 = tpu.memref_squeeze %dma_start3A_887 : memref<1x800x32xf32, #tpu.memory_space<vmem>> -> memref<800x32xf32, #tpu.memory_space<vmem>>
      %dma_start3A_889 = arith.constant 750 : i32
      %dma_start3A_890 = arith.constant 0 : i32
      %dma_start3A_891 = tpu.memref_slice %dma_start3A_888[%dma_start3A_889, %dma_start3A_890] : memref<800x32xf32, #tpu.memory_space<vmem>> -> memref<50x32xf32, #tpu.memory_space<vmem>>
      tpu.enqueue_dma source(%dma_start3A_891 : memref<50x32xf32, #tpu.memory_space<vmem>>) target(%dma_start3A_884 : memref<50x32xf32, #tpu.memory_space<hbm>>) target_semaphore(%arg8 : memref<!tpu.dma_semaphore, #tpu.memory_space<semaphore_mem>>)
    }
    %scan3A_17 = arith.constant 32 : i32
    %rem3A = arith.constant 31 : i32
    %rem3A_18 = arith.constant 2 : i32
    %rem3A_19 = arith.remsi %rem3A, %rem3A_18 : i32
    %add3A_20 = arith.constant 496 : i32
    %add3A_21 = arith.addi %mul3A_2, %add3A_20 : i32
    %add3A_22 = arith.constant 0 : i32
    %add3A_23 = arith.addi %add3A_21, %add3A_22 : i32
    %dma_wait3A = arith.constant 0 : i32
    %dma_wait3A_24 = arith.constant 0 : i32
    %dma_wait3A_25 = tpu.memref_slice %arg6[%rem3A_19, %dma_wait3A, %dma_wait3A_24] : memref<2x800x32xf32, #tpu.memory_space<vmem>> -> memref<1x800x32xf32, #tpu.memory_space<vmem>>
    %dma_wait3A_26 = tpu.memref_squeeze %dma_wait3A_25 : memref<1x800x32xf32, #tpu.memory_space<vmem>> -> memref<800x32xf32, #tpu.memory_space<vmem>>
    %dma_wait3A_27 = arith.constant 0 : i32
    %dma_wait3A_28 = arith.constant 0 : i32
    %dma_wait3A_29 = tpu.memref_slice %dma_wait3A_26[%dma_wait3A_27, %dma_wait3A_28] : memref<800x32xf32, #tpu.memory_space<vmem>> -> memref<50x32xf32, #tpu.memory_space<vmem>>
    %dma_wait3A_30 = arith.constant 0 : i32
    %dma_wait3A_31 = arith.constant 0 : i32
    %dma_wait3A_32 = tpu.memref_slice %arg4[%add3A_23, %dma_wait3A_30, %dma_wait3A_31] : memref<16384x50x32xf32, #tpu.memory_space<hbm>> -> memref<1x50x32xf32, #tpu.memory_space<hbm>>
    %dma_wait3A_33 = tpu.memref_squeeze %dma_wait3A_32 : memref<1x50x32xf32, #tpu.memory_space<hbm>> -> memref<50x32xf32, #tpu.memory_space<hbm>>
    %dma_wait3A_34 = arith.constant 0 : i32
    %dma_wait3A_35 = arith.constant 0 : i32
    %dma_wait3A_36 = tpu.memref_slice %arg4[%add3A_23, %dma_wait3A_34, %dma_wait3A_35] : memref<16384x50x32xf32, #tpu.memory_space<hbm>> -> memref<1x50x32xf32, #tpu.memory_space<hbm>>
    %dma_wait3A_37 = tpu.memref_squeeze %dma_wait3A_36 : memref<1x50x32xf32, #tpu.memory_space<hbm>> -> memref<50x32xf32, #tpu.memory_space<hbm>>
    %dma_wait3A_38 = arith.constant 0 : i32
    %dma_wait3A_39 = arith.constant 0 : i32
    %dma_wait3A_40 = tpu.memref_slice %arg6[%rem3A_19, %dma_wait3A_38, %dma_wait3A_39] : memref<2x800x32xf32, #tpu.memory_space<vmem>> -> memref<1x800x32xf32, #tpu.memory_space<vmem>>
    %dma_wait3A_41 = tpu.memref_squeeze %dma_wait3A_40 : memref<1x800x32xf32, #tpu.memory_space<vmem>> -> memref<800x32xf32, #tpu.memory_space<vmem>>
    %dma_wait3A_42 = arith.constant 0 : i32
    %dma_wait3A_43 = arith.constant 0 : i32
    %dma_wait3A_44 = tpu.memref_slice %dma_wait3A_41[%dma_wait3A_42, %dma_wait3A_43] : memref<800x32xf32, #tpu.memory_space<vmem>> -> memref<50x32xf32, #tpu.memory_space<vmem>>
    tpu.wait_dma2 semaphore(%arg8 : memref<!tpu.dma_semaphore, #tpu.memory_space<semaphore_mem>>) src(%dma_wait3A_44 : memref<50x32xf32, #tpu.memory_space<vmem>>) dst(%dma_wait3A_37 : memref<50x32xf32, #tpu.memory_space<hbm>>)
    %add3A_45 = arith.constant 496 : i32
    %add3A_46 = arith.addi %mul3A_2, %add3A_45 : i32
    %add3A_47 = arith.constant 1 : i32
    %add3A_48 = arith.addi %add3A_46, %add3A_47 : i32
    %dma_wait3A_49 = arith.constant 0 : i32
    %dma_wait3A_50 = arith.constant 0 : i32
    %dma_wait3A_51 = tpu.memref_slice %arg6[%rem3A_19, %dma_wait3A_49, %dma_wait3A_50] : memref<2x800x32xf32, #tpu.memory_space<vmem>> -> memref<1x800x32xf32, #tpu.memory_space<vmem>>
    %dma_wait3A_52 = tpu.memref_squeeze %dma_wait3A_51 : memref<1x800x32xf32, #tpu.memory_space<vmem>> -> memref<800x32xf32, #tpu.memory_space<vmem>>
    %dma_wait3A_53 = arith.constant 50 : i32
    %dma_wait3A_54 = arith.constant 0 : i32
    %dma_wait3A_55 = tpu.memref_slice %dma_wait3A_52[%dma_wait3A_53, %dma_wait3A_54] : memref<800x32xf32, #tpu.memory_space<vmem>> -> memref<50x32xf32, #tpu.memory_space<vmem>>
    %dma_wait3A_56 = arith.constant 0 : i32
    %dma_wait3A_57 = arith.constant 0 : i32
    %dma_wait3A_58 = tpu.memref_slice %arg4[%add3A_48, %dma_wait3A_56, %dma_wait3A_57] : memref<16384x50x32xf32, #tpu.memory_space<hbm>> -> memref<1x50x32xf32, #tpu.memory_space<hbm>>
    %dma_wait3A_59 = tpu.memref_squeeze %dma_wait3A_58 : memref<1x50x32xf32, #tpu.memory_space<hbm>> -> memref<50x32xf32, #tpu.memory_space<hbm>>
    %dma_wait3A_60 = arith.constant 0 : i32
    %dma_wait3A_61 = arith.constant 0 : i32
    %dma_wait3A_62 = tpu.memref_slice %arg4[%add3A_48, %dma_wait3A_60, %dma_wait3A_61] : memref<16384x50x32xf32, #tpu.memory_space<hbm>> -> memref<1x50x32xf32, #tpu.memory_space<hbm>>
    %dma_wait3A_63 = tpu.memref_squeeze %dma_wait3A_62 : memref<1x50x32xf32, #tpu.memory_space<hbm>> -> memref<50x32xf32, #tpu.memory_space<hbm>>
    %dma_wait3A_64 = arith.constant 0 : i32
    %dma_wait3A_65 = arith.constant 0 : i32
    %dma_wait3A_66 = tpu.memref_slice %arg6[%rem3A_19, %dma_wait3A_64, %dma_wait3A_65] : memref<2x800x32xf32, #tpu.memory_space<vmem>> -> memref<1x800x32xf32, #tpu.memory_space<vmem>>
    %dma_wait3A_67 = tpu.memref_squeeze %dma_wait3A_66 : memref<1x800x32xf32, #tpu.memory_space<vmem>> -> memref<800x32xf32, #tpu.memory_space<vmem>>
    %dma_wait3A_68 = arith.constant 50 : i32
    %dma_wait3A_69 = arith.constant 0 : i32
    %dma_wait3A_70 = tpu.memref_slice %dma_wait3A_67[%dma_wait3A_68, %dma_wait3A_69] : memref<800x32xf32, #tpu.memory_space<vmem>> -> memref<50x32xf32, #tpu.memory_space<vmem>>
    tpu.wait_dma2 semaphore(%arg8 : memref<!tpu.dma_semaphore, #tpu.memory_space<semaphore_mem>>) src(%dma_wait3A_70 : memref<50x32xf32, #tpu.memory_space<vmem>>) dst(%dma_wait3A_63 : memref<50x32xf32, #tpu.memory_space<hbm>>)
    %add3A_71 = arith.constant 496 : i32
    %add3A_72 = arith.addi %mul3A_2, %add3A_71 : i32
    %add3A_73 = arith.constant 2 : i32
    %add3A_74 = arith.addi %add3A_72, %add3A_73 : i32
    %dma_wait3A_75 = arith.constant 0 : i32
    %dma_wait3A_76 = arith.constant 0 : i32
    %dma_wait3A_77 = tpu.memref_slice %arg6[%rem3A_19, %dma_wait3A_75, %dma_wait3A_76] : memref<2x800x32xf32, #tpu.memory_space<vmem>> -> memref<1x800x32xf32, #tpu.memory_space<vmem>>
    %dma_wait3A_78 = tpu.memref_squeeze %dma_wait3A_77 : memref<1x800x32xf32, #tpu.memory_space<vmem>> -> memref<800x32xf32, #tpu.memory_space<vmem>>
    %dma_wait3A_79 = arith.constant 100 : i32
    %dma_wait3A_80 = arith.constant 0 : i32
    %dma_wait3A_81 = tpu.memref_slice %dma_wait3A_78[%dma_wait3A_79, %dma_wait3A_80] : memref<800x32xf32, #tpu.memory_space<vmem>> -> memref<50x32xf32, #tpu.memory_space<vmem>>
    %dma_wait3A_82 = arith.constant 0 : i32
    %dma_wait3A_83 = arith.constant 0 : i32
    %dma_wait3A_84 = tpu.memref_slice %arg4[%add3A_74, %dma_wait3A_82, %dma_wait3A_83] : memref<16384x50x32xf32, #tpu.memory_space<hbm>> -> memref<1x50x32xf32, #tpu.memory_space<hbm>>
    %dma_wait3A_85 = tpu.memref_squeeze %dma_wait3A_84 : memref<1x50x32xf32, #tpu.memory_space<hbm>> -> memref<50x32xf32, #tpu.memory_space<hbm>>
    %dma_wait3A_86 = arith.constant 0 : i32
    %dma_wait3A_87 = arith.constant 0 : i32
    %dma_wait3A_88 = tpu.memref_slice %arg4[%add3A_74, %dma_wait3A_86, %dma_wait3A_87] : memref<16384x50x32xf32, #tpu.memory_space<hbm>> -> memref<1x50x32xf32, #tpu.memory_space<hbm>>
    %dma_wait3A_89 = tpu.memref_squeeze %dma_wait3A_88 : memref<1x50x32xf32, #tpu.memory_space<hbm>> -> memref<50x32xf32, #tpu.memory_space<hbm>>
    %dma_wait3A_90 = arith.constant 0 : i32
    %dma_wait3A_91 = arith.constant 0 : i32
    %dma_wait3A_92 = tpu.memref_slice %arg6[%rem3A_19, %dma_wait3A_90, %dma_wait3A_91] : memref<2x800x32xf32, #tpu.memory_space<vmem>> -> memref<1x800x32xf32, #tpu.memory_space<vmem>>
    %dma_wait3A_93 = tpu.memref_squeeze %dma_wait3A_92 : memref<1x800x32xf32, #tpu.memory_space<vmem>> -> memref<800x32xf32, #tpu.memory_space<vmem>>
    %dma_wait3A_94 = arith.constant 100 : i32
    %dma_wait3A_95 = arith.constant 0 : i32
    %dma_wait3A_96 = tpu.memref_slice %dma_wait3A_93[%dma_wait3A_94, %dma_wait3A_95] : memref<800x32xf32, #tpu.memory_space<vmem>> -> memref<50x32xf32, #tpu.memory_space<vmem>>
    tpu.wait_dma2 semaphore(%arg8 : memref<!tpu.dma_semaphore, #tpu.memory_space<semaphore_mem>>) src(%dma_wait3A_96 : memref<50x32xf32, #tpu.memory_space<vmem>>) dst(%dma_wait3A_89 : memref<50x32xf32, #tpu.memory_space<hbm>>)
    %add3A_97 = arith.constant 496 : i32
    %add3A_98 = arith.addi %mul3A_2, %add3A_97 : i32
    %add3A_99 = arith.constant 3 : i32
    %add3A_100 = arith.addi %add3A_98, %add3A_99 : i32
    %dma_wait3A_101 = arith.constant 0 : i32
    %dma_wait3A_102 = arith.constant 0 : i32
    %dma_wait3A_103 = tpu.memref_slice %arg6[%rem3A_19, %dma_wait3A_101, %dma_wait3A_102] : memref<2x800x32xf32, #tpu.memory_space<vmem>> -> memref<1x800x32xf32, #tpu.memory_space<vmem>>
    %dma_wait3A_104 = tpu.memref_squeeze %dma_wait3A_103 : memref<1x800x32xf32, #tpu.memory_space<vmem>> -> memref<800x32xf32, #tpu.memory_space<vmem>>
    %dma_wait3A_105 = arith.constant 150 : i32
    %dma_wait3A_106 = arith.constant 0 : i32
    %dma_wait3A_107 = tpu.memref_slice %dma_wait3A_104[%dma_wait3A_105, %dma_wait3A_106] : memref<800x32xf32, #tpu.memory_space<vmem>> -> memref<50x32xf32, #tpu.memory_space<vmem>>
    %dma_wait3A_108 = arith.constant 0 : i32
    %dma_wait3A_109 = arith.constant 0 : i32
    %dma_wait3A_110 = tpu.memref_slice %arg4[%add3A_100, %dma_wait3A_108, %dma_wait3A_109] : memref<16384x50x32xf32, #tpu.memory_space<hbm>> -> memref<1x50x32xf32, #tpu.memory_space<hbm>>
    %dma_wait3A_111 = tpu.memref_squeeze %dma_wait3A_110 : memref<1x50x32xf32, #tpu.memory_space<hbm>> -> memref<50x32xf32, #tpu.memory_space<hbm>>
    %dma_wait3A_112 = arith.constant 0 : i32
    %dma_wait3A_113 = arith.constant 0 : i32
    %dma_wait3A_114 = tpu.memref_slice %arg4[%add3A_100, %dma_wait3A_112, %dma_wait3A_113] : memref<16384x50x32xf32, #tpu.memory_space<hbm>> -> memref<1x50x32xf32, #tpu.memory_space<hbm>>
    %dma_wait3A_115 = tpu.memref_squeeze %dma_wait3A_114 : memref<1x50x32xf32, #tpu.memory_space<hbm>> -> memref<50x32xf32, #tpu.memory_space<hbm>>
    %dma_wait3A_116 = arith.constant 0 : i32
    %dma_wait3A_117 = arith.constant 0 : i32
    %dma_wait3A_118 = tpu.memref_slice %arg6[%rem3A_19, %dma_wait3A_116, %dma_wait3A_117] : memref<2x800x32xf32, #tpu.memory_space<vmem>> -> memref<1x800x32xf32, #tpu.memory_space<vmem>>
    %dma_wait3A_119 = tpu.memref_squeeze %dma_wait3A_118 : memref<1x800x32xf32, #tpu.memory_space<vmem>> -> memref<800x32xf32, #tpu.memory_space<vmem>>
    %dma_wait3A_120 = arith.constant 150 : i32
    %dma_wait3A_121 = arith.constant 0 : i32
    %dma_wait3A_122 = tpu.memref_slice %dma_wait3A_119[%dma_wait3A_120, %dma_wait3A_121] : memref<800x32xf32, #tpu.memory_space<vmem>> -> memref<50x32xf32, #tpu.memory_space<vmem>>
    tpu.wait_dma2 semaphore(%arg8 : memref<!tpu.dma_semaphore, #tpu.memory_space<semaphore_mem>>) src(%dma_wait3A_122 : memref<50x32xf32, #tpu.memory_space<vmem>>) dst(%dma_wait3A_115 : memref<50x32xf32, #tpu.memory_space<hbm>>)
    %add3A_123 = arith.constant 496 : i32
    %add3A_124 = arith.addi %mul3A_2, %add3A_123 : i32
    %add3A_125 = arith.constant 4 : i32
    %add3A_126 = arith.addi %add3A_124, %add3A_125 : i32
    %dma_wait3A_127 = arith.constant 0 : i32
    %dma_wait3A_128 = arith.constant 0 : i32
    %dma_wait3A_129 = tpu.memref_slice %arg6[%rem3A_19, %dma_wait3A_127, %dma_wait3A_128] : memref<2x800x32xf32, #tpu.memory_space<vmem>> -> memref<1x800x32xf32, #tpu.memory_space<vmem>>
    %dma_wait3A_130 = tpu.memref_squeeze %dma_wait3A_129 : memref<1x800x32xf32, #tpu.memory_space<vmem>> -> memref<800x32xf32, #tpu.memory_space<vmem>>
    %dma_wait3A_131 = arith.constant 200 : i32
    %dma_wait3A_132 = arith.constant 0 : i32
    %dma_wait3A_133 = tpu.memref_slice %dma_wait3A_130[%dma_wait3A_131, %dma_wait3A_132] : memref<800x32xf32, #tpu.memory_space<vmem>> -> memref<50x32xf32, #tpu.memory_space<vmem>>
    %dma_wait3A_134 = arith.constant 0 : i32
    %dma_wait3A_135 = arith.constant 0 : i32
    %dma_wait3A_136 = tpu.memref_slice %arg4[%add3A_126, %dma_wait3A_134, %dma_wait3A_135] : memref<16384x50x32xf32, #tpu.memory_space<hbm>> -> memref<1x50x32xf32, #tpu.memory_space<hbm>>
    %dma_wait3A_137 = tpu.memref_squeeze %dma_wait3A_136 : memref<1x50x32xf32, #tpu.memory_space<hbm>> -> memref<50x32xf32, #tpu.memory_space<hbm>>
    %dma_wait3A_138 = arith.constant 0 : i32
    %dma_wait3A_139 = arith.constant 0 : i32
    %dma_wait3A_140 = tpu.memref_slice %arg4[%add3A_126, %dma_wait3A_138, %dma_wait3A_139] : memref<16384x50x32xf32, #tpu.memory_space<hbm>> -> memref<1x50x32xf32, #tpu.memory_space<hbm>>
    %dma_wait3A_141 = tpu.memref_squeeze %dma_wait3A_140 : memref<1x50x32xf32, #tpu.memory_space<hbm>> -> memref<50x32xf32, #tpu.memory_space<hbm>>
    %dma_wait3A_142 = arith.constant 0 : i32
    %dma_wait3A_143 = arith.constant 0 : i32
    %dma_wait3A_144 = tpu.memref_slice %arg6[%rem3A_19, %dma_wait3A_142, %dma_wait3A_143] : memref<2x800x32xf32, #tpu.memory_space<vmem>> -> memref<1x800x32xf32, #tpu.memory_space<vmem>>
    %dma_wait3A_145 = tpu.memref_squeeze %dma_wait3A_144 : memref<1x800x32xf32, #tpu.memory_space<vmem>> -> memref<800x32xf32, #tpu.memory_space<vmem>>
    %dma_wait3A_146 = arith.constant 200 : i32
    %dma_wait3A_147 = arith.constant 0 : i32
    %dma_wait3A_148 = tpu.memref_slice %dma_wait3A_145[%dma_wait3A_146, %dma_wait3A_147] : memref<800x32xf32, #tpu.memory_space<vmem>> -> memref<50x32xf32, #tpu.memory_space<vmem>>
    tpu.wait_dma2 semaphore(%arg8 : memref<!tpu.dma_semaphore, #tpu.memory_space<semaphore_mem>>) src(%dma_wait3A_148 : memref<50x32xf32, #tpu.memory_space<vmem>>) dst(%dma_wait3A_141 : memref<50x32xf32, #tpu.memory_space<hbm>>)
    %add3A_149 = arith.constant 496 : i32
    %add3A_150 = arith.addi %mul3A_2, %add3A_149 : i32
    %add3A_151 = arith.constant 5 : i32
    %add3A_152 = arith.addi %add3A_150, %add3A_151 : i32
    %dma_wait3A_153 = arith.constant 0 : i32
    %dma_wait3A_154 = arith.constant 0 : i32
    %dma_wait3A_155 = tpu.memref_slice %arg6[%rem3A_19, %dma_wait3A_153, %dma_wait3A_154] : memref<2x800x32xf32, #tpu.memory_space<vmem>> -> memref<1x800x32xf32, #tpu.memory_space<vmem>>
    %dma_wait3A_156 = tpu.memref_squeeze %dma_wait3A_155 : memref<1x800x32xf32, #tpu.memory_space<vmem>> -> memref<800x32xf32, #tpu.memory_space<vmem>>
    %dma_wait3A_157 = arith.constant 250 : i32
    %dma_wait3A_158 = arith.constant 0 : i32
    %dma_wait3A_159 = tpu.memref_slice %dma_wait3A_156[%dma_wait3A_157, %dma_wait3A_158] : memref<800x32xf32, #tpu.memory_space<vmem>> -> memref<50x32xf32, #tpu.memory_space<vmem>>
    %dma_wait3A_160 = arith.constant 0 : i32
    %dma_wait3A_161 = arith.constant 0 : i32
    %dma_wait3A_162 = tpu.memref_slice %arg4[%add3A_152, %dma_wait3A_160, %dma_wait3A_161] : memref<16384x50x32xf32, #tpu.memory_space<hbm>> -> memref<1x50x32xf32, #tpu.memory_space<hbm>>
    %dma_wait3A_163 = tpu.memref_squeeze %dma_wait3A_162 : memref<1x50x32xf32, #tpu.memory_space<hbm>> -> memref<50x32xf32, #tpu.memory_space<hbm>>
    %dma_wait3A_164 = arith.constant 0 : i32
    %dma_wait3A_165 = arith.constant 0 : i32
    %dma_wait3A_166 = tpu.memref_slice %arg4[%add3A_152, %dma_wait3A_164, %dma_wait3A_165] : memref<16384x50x32xf32, #tpu.memory_space<hbm>> -> memref<1x50x32xf32, #tpu.memory_space<hbm>>
    %dma_wait3A_167 = tpu.memref_squeeze %dma_wait3A_166 : memref<1x50x32xf32, #tpu.memory_space<hbm>> -> memref<50x32xf32, #tpu.memory_space<hbm>>
    %dma_wait3A_168 = arith.constant 0 : i32
    %dma_wait3A_169 = arith.constant 0 : i32
    %dma_wait3A_170 = tpu.memref_slice %arg6[%rem3A_19, %dma_wait3A_168, %dma_wait3A_169] : memref<2x800x32xf32, #tpu.memory_space<vmem>> -> memref<1x800x32xf32, #tpu.memory_space<vmem>>
    %dma_wait3A_171 = tpu.memref_squeeze %dma_wait3A_170 : memref<1x800x32xf32, #tpu.memory_space<vmem>> -> memref<800x32xf32, #tpu.memory_space<vmem>>
    %dma_wait3A_172 = arith.constant 250 : i32
    %dma_wait3A_173 = arith.constant 0 : i32
    %dma_wait3A_174 = tpu.memref_slice %dma_wait3A_171[%dma_wait3A_172, %dma_wait3A_173] : memref<800x32xf32, #tpu.memory_space<vmem>> -> memref<50x32xf32, #tpu.memory_space<vmem>>
    tpu.wait_dma2 semaphore(%arg8 : memref<!tpu.dma_semaphore, #tpu.memory_space<semaphore_mem>>) src(%dma_wait3A_174 : memref<50x32xf32, #tpu.memory_space<vmem>>) dst(%dma_wait3A_167 : memref<50x32xf32, #tpu.memory_space<hbm>>)
    %add3A_175 = arith.constant 496 : i32
    %add3A_176 = arith.addi %mul3A_2, %add3A_175 : i32
    %add3A_177 = arith.constant 6 : i32
    %add3A_178 = arith.addi %add3A_176, %add3A_177 : i32
    %dma_wait3A_179 = arith.constant 0 : i32
    %dma_wait3A_180 = arith.constant 0 : i32
    %dma_wait3A_181 = tpu.memref_slice %arg6[%rem3A_19, %dma_wait3A_179, %dma_wait3A_180] : memref<2x800x32xf32, #tpu.memory_space<vmem>> -> memref<1x800x32xf32, #tpu.memory_space<vmem>>
    %dma_wait3A_182 = tpu.memref_squeeze %dma_wait3A_181 : memref<1x800x32xf32, #tpu.memory_space<vmem>> -> memref<800x32xf32, #tpu.memory_space<vmem>>
    %dma_wait3A_183 = arith.constant 300 : i32
    %dma_wait3A_184 = arith.constant 0 : i32
    %dma_wait3A_185 = tpu.memref_slice %dma_wait3A_182[%dma_wait3A_183, %dma_wait3A_184] : memref<800x32xf32, #tpu.memory_space<vmem>> -> memref<50x32xf32, #tpu.memory_space<vmem>>
    %dma_wait3A_186 = arith.constant 0 : i32
    %dma_wait3A_187 = arith.constant 0 : i32
    %dma_wait3A_188 = tpu.memref_slice %arg4[%add3A_178, %dma_wait3A_186, %dma_wait3A_187] : memref<16384x50x32xf32, #tpu.memory_space<hbm>> -> memref<1x50x32xf32, #tpu.memory_space<hbm>>
    %dma_wait3A_189 = tpu.memref_squeeze %dma_wait3A_188 : memref<1x50x32xf32, #tpu.memory_space<hbm>> -> memref<50x32xf32, #tpu.memory_space<hbm>>
    %dma_wait3A_190 = arith.constant 0 : i32
    %dma_wait3A_191 = arith.constant 0 : i32
    %dma_wait3A_192 = tpu.memref_slice %arg4[%add3A_178, %dma_wait3A_190, %dma_wait3A_191] : memref<16384x50x32xf32, #tpu.memory_space<hbm>> -> memref<1x50x32xf32, #tpu.memory_space<hbm>>
    %dma_wait3A_193 = tpu.memref_squeeze %dma_wait3A_192 : memref<1x50x32xf32, #tpu.memory_space<hbm>> -> memref<50x32xf32, #tpu.memory_space<hbm>>
    %dma_wait3A_194 = arith.constant 0 : i32
    %dma_wait3A_195 = arith.constant 0 : i32
    %dma_wait3A_196 = tpu.memref_slice %arg6[%rem3A_19, %dma_wait3A_194, %dma_wait3A_195] : memref<2x800x32xf32, #tpu.memory_space<vmem>> -> memref<1x800x32xf32, #tpu.memory_space<vmem>>
    %dma_wait3A_197 = tpu.memref_squeeze %dma_wait3A_196 : memref<1x800x32xf32, #tpu.memory_space<vmem>> -> memref<800x32xf32, #tpu.memory_space<vmem>>
    %dma_wait3A_198 = arith.constant 300 : i32
    %dma_wait3A_199 = arith.constant 0 : i32
    %dma_wait3A_200 = tpu.memref_slice %dma_wait3A_197[%dma_wait3A_198, %dma_wait3A_199] : memref<800x32xf32, #tpu.memory_space<vmem>> -> memref<50x32xf32, #tpu.memory_space<vmem>>
    tpu.wait_dma2 semaphore(%arg8 : memref<!tpu.dma_semaphore, #tpu.memory_space<semaphore_mem>>) src(%dma_wait3A_200 : memref<50x32xf32, #tpu.memory_space<vmem>>) dst(%dma_wait3A_193 : memref<50x32xf32, #tpu.memory_space<hbm>>)
    %add3A_201 = arith.constant 496 : i32
    %add3A_202 = arith.addi %mul3A_2, %add3A_201 : i32
    %add3A_203 = arith.constant 7 : i32
    %add3A_204 = arith.addi %add3A_202, %add3A_203 : i32
    %dma_wait3A_205 = arith.constant 0 : i32
    %dma_wait3A_206 = arith.constant 0 : i32
    %dma_wait3A_207 = tpu.memref_slice %arg6[%rem3A_19, %dma_wait3A_205, %dma_wait3A_206] : memref<2x800x32xf32, #tpu.memory_space<vmem>> -> memref<1x800x32xf32, #tpu.memory_space<vmem>>
    %dma_wait3A_208 = tpu.memref_squeeze %dma_wait3A_207 : memref<1x800x32xf32, #tpu.memory_space<vmem>> -> memref<800x32xf32, #tpu.memory_space<vmem>>
    %dma_wait3A_209 = arith.constant 350 : i32
    %dma_wait3A_210 = arith.constant 0 : i32
    %dma_wait3A_211 = tpu.memref_slice %dma_wait3A_208[%dma_wait3A_209, %dma_wait3A_210] : memref<800x32xf32, #tpu.memory_space<vmem>> -> memref<50x32xf32, #tpu.memory_space<vmem>>
    %dma_wait3A_212 = arith.constant 0 : i32
    %dma_wait3A_213 = arith.constant 0 : i32
    %dma_wait3A_214 = tpu.memref_slice %arg4[%add3A_204, %dma_wait3A_212, %dma_wait3A_213] : memref<16384x50x32xf32, #tpu.memory_space<hbm>> -> memref<1x50x32xf32, #tpu.memory_space<hbm>>
    %dma_wait3A_215 = tpu.memref_squeeze %dma_wait3A_214 : memref<1x50x32xf32, #tpu.memory_space<hbm>> -> memref<50x32xf32, #tpu.memory_space<hbm>>
    %dma_wait3A_216 = arith.constant 0 : i32
    %dma_wait3A_217 = arith.constant 0 : i32
    %dma_wait3A_218 = tpu.memref_slice %arg4[%add3A_204, %dma_wait3A_216, %dma_wait3A_217] : memref<16384x50x32xf32, #tpu.memory_space<hbm>> -> memref<1x50x32xf32, #tpu.memory_space<hbm>>
    %dma_wait3A_219 = tpu.memref_squeeze %dma_wait3A_218 : memref<1x50x32xf32, #tpu.memory_space<hbm>> -> memref<50x32xf32, #tpu.memory_space<hbm>>
    %dma_wait3A_220 = arith.constant 0 : i32
    %dma_wait3A_221 = arith.constant 0 : i32
    %dma_wait3A_222 = tpu.memref_slice %arg6[%rem3A_19, %dma_wait3A_220, %dma_wait3A_221] : memref<2x800x32xf32, #tpu.memory_space<vmem>> -> memref<1x800x32xf32, #tpu.memory_space<vmem>>
    %dma_wait3A_223 = tpu.memref_squeeze %dma_wait3A_222 : memref<1x800x32xf32, #tpu.memory_space<vmem>> -> memref<800x32xf32, #tpu.memory_space<vmem>>
    %dma_wait3A_224 = arith.constant 350 : i32
    %dma_wait3A_225 = arith.constant 0 : i32
    %dma_wait3A_226 = tpu.memref_slice %dma_wait3A_223[%dma_wait3A_224, %dma_wait3A_225] : memref<800x32xf32, #tpu.memory_space<vmem>> -> memref<50x32xf32, #tpu.memory_space<vmem>>
    tpu.wait_dma2 semaphore(%arg8 : memref<!tpu.dma_semaphore, #tpu.memory_space<semaphore_mem>>) src(%dma_wait3A_226 : memref<50x32xf32, #tpu.memory_space<vmem>>) dst(%dma_wait3A_219 : memref<50x32xf32, #tpu.memory_space<hbm>>)
    %add3A_227 = arith.constant 496 : i32
    %add3A_228 = arith.addi %mul3A_2, %add3A_227 : i32
    %add3A_229 = arith.constant 8 : i32
    %add3A_230 = arith.addi %add3A_228, %add3A_229 : i32
    %dma_wait3A_231 = arith.constant 0 : i32
    %dma_wait3A_232 = arith.constant 0 : i32
    %dma_wait3A_233 = tpu.memref_slice %arg6[%rem3A_19, %dma_wait3A_231, %dma_wait3A_232] : memref<2x800x32xf32, #tpu.memory_space<vmem>> -> memref<1x800x32xf32, #tpu.memory_space<vmem>>
    %dma_wait3A_234 = tpu.memref_squeeze %dma_wait3A_233 : memref<1x800x32xf32, #tpu.memory_space<vmem>> -> memref<800x32xf32, #tpu.memory_space<vmem>>
    %dma_wait3A_235 = arith.constant 400 : i32
    %dma_wait3A_236 = arith.constant 0 : i32
    %dma_wait3A_237 = tpu.memref_slice %dma_wait3A_234[%dma_wait3A_235, %dma_wait3A_236] : memref<800x32xf32, #tpu.memory_space<vmem>> -> memref<50x32xf32, #tpu.memory_space<vmem>>
    %dma_wait3A_238 = arith.constant 0 : i32
    %dma_wait3A_239 = arith.constant 0 : i32
    %dma_wait3A_240 = tpu.memref_slice %arg4[%add3A_230, %dma_wait3A_238, %dma_wait3A_239] : memref<16384x50x32xf32, #tpu.memory_space<hbm>> -> memref<1x50x32xf32, #tpu.memory_space<hbm>>
    %dma_wait3A_241 = tpu.memref_squeeze %dma_wait3A_240 : memref<1x50x32xf32, #tpu.memory_space<hbm>> -> memref<50x32xf32, #tpu.memory_space<hbm>>
    %dma_wait3A_242 = arith.constant 0 : i32
    %dma_wait3A_243 = arith.constant 0 : i32
    %dma_wait3A_244 = tpu.memref_slice %arg4[%add3A_230, %dma_wait3A_242, %dma_wait3A_243] : memref<16384x50x32xf32, #tpu.memory_space<hbm>> -> memref<1x50x32xf32, #tpu.memory_space<hbm>>
    %dma_wait3A_245 = tpu.memref_squeeze %dma_wait3A_244 : memref<1x50x32xf32, #tpu.memory_space<hbm>> -> memref<50x32xf32, #tpu.memory_space<hbm>>
    %dma_wait3A_246 = arith.constant 0 : i32
    %dma_wait3A_247 = arith.constant 0 : i32
    %dma_wait3A_248 = tpu.memref_slice %arg6[%rem3A_19, %dma_wait3A_246, %dma_wait3A_247] : memref<2x800x32xf32, #tpu.memory_space<vmem>> -> memref<1x800x32xf32, #tpu.memory_space<vmem>>
    %dma_wait3A_249 = tpu.memref_squeeze %dma_wait3A_248 : memref<1x800x32xf32, #tpu.memory_space<vmem>> -> memref<800x32xf32, #tpu.memory_space<vmem>>
    %dma_wait3A_250 = arith.constant 400 : i32
    %dma_wait3A_251 = arith.constant 0 : i32
    %dma_wait3A_252 = tpu.memref_slice %dma_wait3A_249[%dma_wait3A_250, %dma_wait3A_251] : memref<800x32xf32, #tpu.memory_space<vmem>> -> memref<50x32xf32, #tpu.memory_space<vmem>>
    tpu.wait_dma2 semaphore(%arg8 : memref<!tpu.dma_semaphore, #tpu.memory_space<semaphore_mem>>) src(%dma_wait3A_252 : memref<50x32xf32, #tpu.memory_space<vmem>>) dst(%dma_wait3A_245 : memref<50x32xf32, #tpu.memory_space<hbm>>)
    %add3A_253 = arith.constant 496 : i32
    %add3A_254 = arith.addi %mul3A_2, %add3A_253 : i32
    %add3A_255 = arith.constant 9 : i32
    %add3A_256 = arith.addi %add3A_254, %add3A_255 : i32
    %dma_wait3A_257 = arith.constant 0 : i32
    %dma_wait3A_258 = arith.constant 0 : i32
    %dma_wait3A_259 = tpu.memref_slice %arg6[%rem3A_19, %dma_wait3A_257, %dma_wait3A_258] : memref<2x800x32xf32, #tpu.memory_space<vmem>> -> memref<1x800x32xf32, #tpu.memory_space<vmem>>
    %dma_wait3A_260 = tpu.memref_squeeze %dma_wait3A_259 : memref<1x800x32xf32, #tpu.memory_space<vmem>> -> memref<800x32xf32, #tpu.memory_space<vmem>>
    %dma_wait3A_261 = arith.constant 450 : i32
    %dma_wait3A_262 = arith.constant 0 : i32
    %dma_wait3A_263 = tpu.memref_slice %dma_wait3A_260[%dma_wait3A_261, %dma_wait3A_262] : memref<800x32xf32, #tpu.memory_space<vmem>> -> memref<50x32xf32, #tpu.memory_space<vmem>>
    %dma_wait3A_264 = arith.constant 0 : i32
    %dma_wait3A_265 = arith.constant 0 : i32
    %dma_wait3A_266 = tpu.memref_slice %arg4[%add3A_256, %dma_wait3A_264, %dma_wait3A_265] : memref<16384x50x32xf32, #tpu.memory_space<hbm>> -> memref<1x50x32xf32, #tpu.memory_space<hbm>>
    %dma_wait3A_267 = tpu.memref_squeeze %dma_wait3A_266 : memref<1x50x32xf32, #tpu.memory_space<hbm>> -> memref<50x32xf32, #tpu.memory_space<hbm>>
    %dma_wait3A_268 = arith.constant 0 : i32
    %dma_wait3A_269 = arith.constant 0 : i32
    %dma_wait3A_270 = tpu.memref_slice %arg4[%add3A_256, %dma_wait3A_268, %dma_wait3A_269] : memref<16384x50x32xf32, #tpu.memory_space<hbm>> -> memref<1x50x32xf32, #tpu.memory_space<hbm>>
    %dma_wait3A_271 = tpu.memref_squeeze %dma_wait3A_270 : memref<1x50x32xf32, #tpu.memory_space<hbm>> -> memref<50x32xf32, #tpu.memory_space<hbm>>
    %dma_wait3A_272 = arith.constant 0 : i32
    %dma_wait3A_273 = arith.constant 0 : i32
    %dma_wait3A_274 = tpu.memref_slice %arg6[%rem3A_19, %dma_wait3A_272, %dma_wait3A_273] : memref<2x800x32xf32, #tpu.memory_space<vmem>> -> memref<1x800x32xf32, #tpu.memory_space<vmem>>
    %dma_wait3A_275 = tpu.memref_squeeze %dma_wait3A_274 : memref<1x800x32xf32, #tpu.memory_space<vmem>> -> memref<800x32xf32, #tpu.memory_space<vmem>>
    %dma_wait3A_276 = arith.constant 450 : i32
    %dma_wait3A_277 = arith.constant 0 : i32
    %dma_wait3A_278 = tpu.memref_slice %dma_wait3A_275[%dma_wait3A_276, %dma_wait3A_277] : memref<800x32xf32, #tpu.memory_space<vmem>> -> memref<50x32xf32, #tpu.memory_space<vmem>>
    tpu.wait_dma2 semaphore(%arg8 : memref<!tpu.dma_semaphore, #tpu.memory_space<semaphore_mem>>) src(%dma_wait3A_278 : memref<50x32xf32, #tpu.memory_space<vmem>>) dst(%dma_wait3A_271 : memref<50x32xf32, #tpu.memory_space<hbm>>)
    %add3A_279 = arith.constant 496 : i32
    %add3A_280 = arith.addi %mul3A_2, %add3A_279 : i32
    %add3A_281 = arith.constant 10 : i32
    %add3A_282 = arith.addi %add3A_280, %add3A_281 : i32
    %dma_wait3A_283 = arith.constant 0 : i32
    %dma_wait3A_284 = arith.constant 0 : i32
    %dma_wait3A_285 = tpu.memref_slice %arg6[%rem3A_19, %dma_wait3A_283, %dma_wait3A_284] : memref<2x800x32xf32, #tpu.memory_space<vmem>> -> memref<1x800x32xf32, #tpu.memory_space<vmem>>
    %dma_wait3A_286 = tpu.memref_squeeze %dma_wait3A_285 : memref<1x800x32xf32, #tpu.memory_space<vmem>> -> memref<800x32xf32, #tpu.memory_space<vmem>>
    %dma_wait3A_287 = arith.constant 500 : i32
    %dma_wait3A_288 = arith.constant 0 : i32
    %dma_wait3A_289 = tpu.memref_slice %dma_wait3A_286[%dma_wait3A_287, %dma_wait3A_288] : memref<800x32xf32, #tpu.memory_space<vmem>> -> memref<50x32xf32, #tpu.memory_space<vmem>>
    %dma_wait3A_290 = arith.constant 0 : i32
    %dma_wait3A_291 = arith.constant 0 : i32
    %dma_wait3A_292 = tpu.memref_slice %arg4[%add3A_282, %dma_wait3A_290, %dma_wait3A_291] : memref<16384x50x32xf32, #tpu.memory_space<hbm>> -> memref<1x50x32xf32, #tpu.memory_space<hbm>>
    %dma_wait3A_293 = tpu.memref_squeeze %dma_wait3A_292 : memref<1x50x32xf32, #tpu.memory_space<hbm>> -> memref<50x32xf32, #tpu.memory_space<hbm>>
    %dma_wait3A_294 = arith.constant 0 : i32
    %dma_wait3A_295 = arith.constant 0 : i32
    %dma_wait3A_296 = tpu.memref_slice %arg4[%add3A_282, %dma_wait3A_294, %dma_wait3A_295] : memref<16384x50x32xf32, #tpu.memory_space<hbm>> -> memref<1x50x32xf32, #tpu.memory_space<hbm>>
    %dma_wait3A_297 = tpu.memref_squeeze %dma_wait3A_296 : memref<1x50x32xf32, #tpu.memory_space<hbm>> -> memref<50x32xf32, #tpu.memory_space<hbm>>
    %dma_wait3A_298 = arith.constant 0 : i32
    %dma_wait3A_299 = arith.constant 0 : i32
    %dma_wait3A_300 = tpu.memref_slice %arg6[%rem3A_19, %dma_wait3A_298, %dma_wait3A_299] : memref<2x800x32xf32, #tpu.memory_space<vmem>> -> memref<1x800x32xf32, #tpu.memory_space<vmem>>
    %dma_wait3A_301 = tpu.memref_squeeze %dma_wait3A_300 : memref<1x800x32xf32, #tpu.memory_space<vmem>> -> memref<800x32xf32, #tpu.memory_space<vmem>>
    %dma_wait3A_302 = arith.constant 500 : i32
    %dma_wait3A_303 = arith.constant 0 : i32
    %dma_wait3A_304 = tpu.memref_slice %dma_wait3A_301[%dma_wait3A_302, %dma_wait3A_303] : memref<800x32xf32, #tpu.memory_space<vmem>> -> memref<50x32xf32, #tpu.memory_space<vmem>>
    tpu.wait_dma2 semaphore(%arg8 : memref<!tpu.dma_semaphore, #tpu.memory_space<semaphore_mem>>) src(%dma_wait3A_304 : memref<50x32xf32, #tpu.memory_space<vmem>>) dst(%dma_wait3A_297 : memref<50x32xf32, #tpu.memory_space<hbm>>)
    %add3A_305 = arith.constant 496 : i32
    %add3A_306 = arith.addi %mul3A_2, %add3A_305 : i32
    %add3A_307 = arith.constant 11 : i32
    %add3A_308 = arith.addi %add3A_306, %add3A_307 : i32
    %dma_wait3A_309 = arith.constant 0 : i32
    %dma_wait3A_310 = arith.constant 0 : i32
    %dma_wait3A_311 = tpu.memref_slice %arg6[%rem3A_19, %dma_wait3A_309, %dma_wait3A_310] : memref<2x800x32xf32, #tpu.memory_space<vmem>> -> memref<1x800x32xf32, #tpu.memory_space<vmem>>
    %dma_wait3A_312 = tpu.memref_squeeze %dma_wait3A_311 : memref<1x800x32xf32, #tpu.memory_space<vmem>> -> memref<800x32xf32, #tpu.memory_space<vmem>>
    %dma_wait3A_313 = arith.constant 550 : i32
    %dma_wait3A_314 = arith.constant 0 : i32
    %dma_wait3A_315 = tpu.memref_slice %dma_wait3A_312[%dma_wait3A_313, %dma_wait3A_314] : memref<800x32xf32, #tpu.memory_space<vmem>> -> memref<50x32xf32, #tpu.memory_space<vmem>>
    %dma_wait3A_316 = arith.constant 0 : i32
    %dma_wait3A_317 = arith.constant 0 : i32
    %dma_wait3A_318 = tpu.memref_slice %arg4[%add3A_308, %dma_wait3A_316, %dma_wait3A_317] : memref<16384x50x32xf32, #tpu.memory_space<hbm>> -> memref<1x50x32xf32, #tpu.memory_space<hbm>>
    %dma_wait3A_319 = tpu.memref_squeeze %dma_wait3A_318 : memref<1x50x32xf32, #tpu.memory_space<hbm>> -> memref<50x32xf32, #tpu.memory_space<hbm>>
    %dma_wait3A_320 = arith.constant 0 : i32
    %dma_wait3A_321 = arith.constant 0 : i32
    %dma_wait3A_322 = tpu.memref_slice %arg4[%add3A_308, %dma_wait3A_320, %dma_wait3A_321] : memref<16384x50x32xf32, #tpu.memory_space<hbm>> -> memref<1x50x32xf32, #tpu.memory_space<hbm>>
    %dma_wait3A_323 = tpu.memref_squeeze %dma_wait3A_322 : memref<1x50x32xf32, #tpu.memory_space<hbm>> -> memref<50x32xf32, #tpu.memory_space<hbm>>
    %dma_wait3A_324 = arith.constant 0 : i32
    %dma_wait3A_325 = arith.constant 0 : i32
    %dma_wait3A_326 = tpu.memref_slice %arg6[%rem3A_19, %dma_wait3A_324, %dma_wait3A_325] : memref<2x800x32xf32, #tpu.memory_space<vmem>> -> memref<1x800x32xf32, #tpu.memory_space<vmem>>
    %dma_wait3A_327 = tpu.memref_squeeze %dma_wait3A_326 : memref<1x800x32xf32, #tpu.memory_space<vmem>> -> memref<800x32xf32, #tpu.memory_space<vmem>>
    %dma_wait3A_328 = arith.constant 550 : i32
    %dma_wait3A_329 = arith.constant 0 : i32
    %dma_wait3A_330 = tpu.memref_slice %dma_wait3A_327[%dma_wait3A_328, %dma_wait3A_329] : memref<800x32xf32, #tpu.memory_space<vmem>> -> memref<50x32xf32, #tpu.memory_space<vmem>>
    tpu.wait_dma2 semaphore(%arg8 : memref<!tpu.dma_semaphore, #tpu.memory_space<semaphore_mem>>) src(%dma_wait3A_330 : memref<50x32xf32, #tpu.memory_space<vmem>>) dst(%dma_wait3A_323 : memref<50x32xf32, #tpu.memory_space<hbm>>)
    %add3A_331 = arith.constant 496 : i32
    %add3A_332 = arith.addi %mul3A_2, %add3A_331 : i32
    %add3A_333 = arith.constant 12 : i32
    %add3A_334 = arith.addi %add3A_332, %add3A_333 : i32
    %dma_wait3A_335 = arith.constant 0 : i32
    %dma_wait3A_336 = arith.constant 0 : i32
    %dma_wait3A_337 = tpu.memref_slice %arg6[%rem3A_19, %dma_wait3A_335, %dma_wait3A_336] : memref<2x800x32xf32, #tpu.memory_space<vmem>> -> memref<1x800x32xf32, #tpu.memory_space<vmem>>
    %dma_wait3A_338 = tpu.memref_squeeze %dma_wait3A_337 : memref<1x800x32xf32, #tpu.memory_space<vmem>> -> memref<800x32xf32, #tpu.memory_space<vmem>>
    %dma_wait3A_339 = arith.constant 600 : i32
    %dma_wait3A_340 = arith.constant 0 : i32
    %dma_wait3A_341 = tpu.memref_slice %dma_wait3A_338[%dma_wait3A_339, %dma_wait3A_340] : memref<800x32xf32, #tpu.memory_space<vmem>> -> memref<50x32xf32, #tpu.memory_space<vmem>>
    %dma_wait3A_342 = arith.constant 0 : i32
    %dma_wait3A_343 = arith.constant 0 : i32
    %dma_wait3A_344 = tpu.memref_slice %arg4[%add3A_334, %dma_wait3A_342, %dma_wait3A_343] : memref<16384x50x32xf32, #tpu.memory_space<hbm>> -> memref<1x50x32xf32, #tpu.memory_space<hbm>>
    %dma_wait3A_345 = tpu.memref_squeeze %dma_wait3A_344 : memref<1x50x32xf32, #tpu.memory_space<hbm>> -> memref<50x32xf32, #tpu.memory_space<hbm>>
    %dma_wait3A_346 = arith.constant 0 : i32
    %dma_wait3A_347 = arith.constant 0 : i32
    %dma_wait3A_348 = tpu.memref_slice %arg4[%add3A_334, %dma_wait3A_346, %dma_wait3A_347] : memref<16384x50x32xf32, #tpu.memory_space<hbm>> -> memref<1x50x32xf32, #tpu.memory_space<hbm>>
    %dma_wait3A_349 = tpu.memref_squeeze %dma_wait3A_348 : memref<1x50x32xf32, #tpu.memory_space<hbm>> -> memref<50x32xf32, #tpu.memory_space<hbm>>
    %dma_wait3A_350 = arith.constant 0 : i32
    %dma_wait3A_351 = arith.constant 0 : i32
    %dma_wait3A_352 = tpu.memref_slice %arg6[%rem3A_19, %dma_wait3A_350, %dma_wait3A_351] : memref<2x800x32xf32, #tpu.memory_space<vmem>> -> memref<1x800x32xf32, #tpu.memory_space<vmem>>
    %dma_wait3A_353 = tpu.memref_squeeze %dma_wait3A_352 : memref<1x800x32xf32, #tpu.memory_space<vmem>> -> memref<800x32xf32, #tpu.memory_space<vmem>>
    %dma_wait3A_354 = arith.constant 600 : i32
    %dma_wait3A_355 = arith.constant 0 : i32
    %dma_wait3A_356 = tpu.memref_slice %dma_wait3A_353[%dma_wait3A_354, %dma_wait3A_355] : memref<800x32xf32, #tpu.memory_space<vmem>> -> memref<50x32xf32, #tpu.memory_space<vmem>>
    tpu.wait_dma2 semaphore(%arg8 : memref<!tpu.dma_semaphore, #tpu.memory_space<semaphore_mem>>) src(%dma_wait3A_356 : memref<50x32xf32, #tpu.memory_space<vmem>>) dst(%dma_wait3A_349 : memref<50x32xf32, #tpu.memory_space<hbm>>)
    %add3A_357 = arith.constant 496 : i32
    %add3A_358 = arith.addi %mul3A_2, %add3A_357 : i32
    %add3A_359 = arith.constant 13 : i32
    %add3A_360 = arith.addi %add3A_358, %add3A_359 : i32
    %dma_wait3A_361 = arith.constant 0 : i32
    %dma_wait3A_362 = arith.constant 0 : i32
    %dma_wait3A_363 = tpu.memref_slice %arg6[%rem3A_19, %dma_wait3A_361, %dma_wait3A_362] : memref<2x800x32xf32, #tpu.memory_space<vmem>> -> memref<1x800x32xf32, #tpu.memory_space<vmem>>
    %dma_wait3A_364 = tpu.memref_squeeze %dma_wait3A_363 : memref<1x800x32xf32, #tpu.memory_space<vmem>> -> memref<800x32xf32, #tpu.memory_space<vmem>>
    %dma_wait3A_365 = arith.constant 650 : i32
    %dma_wait3A_366 = arith.constant 0 : i32
    %dma_wait3A_367 = tpu.memref_slice %dma_wait3A_364[%dma_wait3A_365, %dma_wait3A_366] : memref<800x32xf32, #tpu.memory_space<vmem>> -> memref<50x32xf32, #tpu.memory_space<vmem>>
    %dma_wait3A_368 = arith.constant 0 : i32
    %dma_wait3A_369 = arith.constant 0 : i32
    %dma_wait3A_370 = tpu.memref_slice %arg4[%add3A_360, %dma_wait3A_368, %dma_wait3A_369] : memref<16384x50x32xf32, #tpu.memory_space<hbm>> -> memref<1x50x32xf32, #tpu.memory_space<hbm>>
    %dma_wait3A_371 = tpu.memref_squeeze %dma_wait3A_370 : memref<1x50x32xf32, #tpu.memory_space<hbm>> -> memref<50x32xf32, #tpu.memory_space<hbm>>
    %dma_wait3A_372 = arith.constant 0 : i32
    %dma_wait3A_373 = arith.constant 0 : i32
    %dma_wait3A_374 = tpu.memref_slice %arg4[%add3A_360, %dma_wait3A_372, %dma_wait3A_373] : memref<16384x50x32xf32, #tpu.memory_space<hbm>> -> memref<1x50x32xf32, #tpu.memory_space<hbm>>
    %dma_wait3A_375 = tpu.memref_squeeze %dma_wait3A_374 : memref<1x50x32xf32, #tpu.memory_space<hbm>> -> memref<50x32xf32, #tpu.memory_space<hbm>>
    %dma_wait3A_376 = arith.constant 0 : i32
    %dma_wait3A_377 = arith.constant 0 : i32
    %dma_wait3A_378 = tpu.memref_slice %arg6[%rem3A_19, %dma_wait3A_376, %dma_wait3A_377] : memref<2x800x32xf32, #tpu.memory_space<vmem>> -> memref<1x800x32xf32, #tpu.memory_space<vmem>>
    %dma_wait3A_379 = tpu.memref_squeeze %dma_wait3A_378 : memref<1x800x32xf32, #tpu.memory_space<vmem>> -> memref<800x32xf32, #tpu.memory_space<vmem>>
    %dma_wait3A_380 = arith.constant 650 : i32
    %dma_wait3A_381 = arith.constant 0 : i32
    %dma_wait3A_382 = tpu.memref_slice %dma_wait3A_379[%dma_wait3A_380, %dma_wait3A_381] : memref<800x32xf32, #tpu.memory_space<vmem>> -> memref<50x32xf32, #tpu.memory_space<vmem>>
    tpu.wait_dma2 semaphore(%arg8 : memref<!tpu.dma_semaphore, #tpu.memory_space<semaphore_mem>>) src(%dma_wait3A_382 : memref<50x32xf32, #tpu.memory_space<vmem>>) dst(%dma_wait3A_375 : memref<50x32xf32, #tpu.memory_space<hbm>>)
    %add3A_383 = arith.constant 496 : i32
    %add3A_384 = arith.addi %mul3A_2, %add3A_383 : i32
    %add3A_385 = arith.constant 14 : i32
    %add3A_386 = arith.addi %add3A_384, %add3A_385 : i32
    %dma_wait3A_387 = arith.constant 0 : i32
    %dma_wait3A_388 = arith.constant 0 : i32
    %dma_wait3A_389 = tpu.memref_slice %arg6[%rem3A_19, %dma_wait3A_387, %dma_wait3A_388] : memref<2x800x32xf32, #tpu.memory_space<vmem>> -> memref<1x800x32xf32, #tpu.memory_space<vmem>>
    %dma_wait3A_390 = tpu.memref_squeeze %dma_wait3A_389 : memref<1x800x32xf32, #tpu.memory_space<vmem>> -> memref<800x32xf32, #tpu.memory_space<vmem>>
    %dma_wait3A_391 = arith.constant 700 : i32
    %dma_wait3A_392 = arith.constant 0 : i32
    %dma_wait3A_393 = tpu.memref_slice %dma_wait3A_390[%dma_wait3A_391, %dma_wait3A_392] : memref<800x32xf32, #tpu.memory_space<vmem>> -> memref<50x32xf32, #tpu.memory_space<vmem>>
    %dma_wait3A_394 = arith.constant 0 : i32
    %dma_wait3A_395 = arith.constant 0 : i32
    %dma_wait3A_396 = tpu.memref_slice %arg4[%add3A_386, %dma_wait3A_394, %dma_wait3A_395] : memref<16384x50x32xf32, #tpu.memory_space<hbm>> -> memref<1x50x32xf32, #tpu.memory_space<hbm>>
    %dma_wait3A_397 = tpu.memref_squeeze %dma_wait3A_396 : memref<1x50x32xf32, #tpu.memory_space<hbm>> -> memref<50x32xf32, #tpu.memory_space<hbm>>
    %dma_wait3A_398 = arith.constant 0 : i32
    %dma_wait3A_399 = arith.constant 0 : i32
    %dma_wait3A_400 = tpu.memref_slice %arg4[%add3A_386, %dma_wait3A_398, %dma_wait3A_399] : memref<16384x50x32xf32, #tpu.memory_space<hbm>> -> memref<1x50x32xf32, #tpu.memory_space<hbm>>
    %dma_wait3A_401 = tpu.memref_squeeze %dma_wait3A_400 : memref<1x50x32xf32, #tpu.memory_space<hbm>> -> memref<50x32xf32, #tpu.memory_space<hbm>>
    %dma_wait3A_402 = arith.constant 0 : i32
    %dma_wait3A_403 = arith.constant 0 : i32
    %dma_wait3A_404 = tpu.memref_slice %arg6[%rem3A_19, %dma_wait3A_402, %dma_wait3A_403] : memref<2x800x32xf32, #tpu.memory_space<vmem>> -> memref<1x800x32xf32, #tpu.memory_space<vmem>>
    %dma_wait3A_405 = tpu.memref_squeeze %dma_wait3A_404 : memref<1x800x32xf32, #tpu.memory_space<vmem>> -> memref<800x32xf32, #tpu.memory_space<vmem>>
    %dma_wait3A_406 = arith.constant 700 : i32
    %dma_wait3A_407 = arith.constant 0 : i32
    %dma_wait3A_408 = tpu.memref_slice %dma_wait3A_405[%dma_wait3A_406, %dma_wait3A_407] : memref<800x32xf32, #tpu.memory_space<vmem>> -> memref<50x32xf32, #tpu.memory_space<vmem>>
    tpu.wait_dma2 semaphore(%arg8 : memref<!tpu.dma_semaphore, #tpu.memory_space<semaphore_mem>>) src(%dma_wait3A_408 : memref<50x32xf32, #tpu.memory_space<vmem>>) dst(%dma_wait3A_401 : memref<50x32xf32, #tpu.memory_space<hbm>>)
    %add3A_409 = arith.constant 496 : i32
    %add3A_410 = arith.addi %mul3A_2, %add3A_409 : i32
    %add3A_411 = arith.constant 15 : i32
    %add3A_412 = arith.addi %add3A_410, %add3A_411 : i32
    %dma_wait3A_413 = arith.constant 0 : i32
    %dma_wait3A_414 = arith.constant 0 : i32
    %dma_wait3A_415 = tpu.memref_slice %arg6[%rem3A_19, %dma_wait3A_413, %dma_wait3A_414] : memref<2x800x32xf32, #tpu.memory_space<vmem>> -> memref<1x800x32xf32, #tpu.memory_space<vmem>>
    %dma_wait3A_416 = tpu.memref_squeeze %dma_wait3A_415 : memref<1x800x32xf32, #tpu.memory_space<vmem>> -> memref<800x32xf32, #tpu.memory_space<vmem>>
    %dma_wait3A_417 = arith.constant 750 : i32
    %dma_wait3A_418 = arith.constant 0 : i32
    %dma_wait3A_419 = tpu.memref_slice %dma_wait3A_416[%dma_wait3A_417, %dma_wait3A_418] : memref<800x32xf32, #tpu.memory_space<vmem>> -> memref<50x32xf32, #tpu.memory_space<vmem>>
    %dma_wait3A_420 = arith.constant 0 : i32
    %dma_wait3A_421 = arith.constant 0 : i32
    %dma_wait3A_422 = tpu.memref_slice %arg4[%add3A_412, %dma_wait3A_420, %dma_wait3A_421] : memref<16384x50x32xf32, #tpu.memory_space<hbm>> -> memref<1x50x32xf32, #tpu.memory_space<hbm>>
    %dma_wait3A_423 = tpu.memref_squeeze %dma_wait3A_422 : memref<1x50x32xf32, #tpu.memory_space<hbm>> -> memref<50x32xf32, #tpu.memory_space<hbm>>
    %dma_wait3A_424 = arith.constant 0 : i32
    %dma_wait3A_425 = arith.constant 0 : i32
    %dma_wait3A_426 = tpu.memref_slice %arg4[%add3A_412, %dma_wait3A_424, %dma_wait3A_425] : memref<16384x50x32xf32, #tpu.memory_space<hbm>> -> memref<1x50x32xf32, #tpu.memory_space<hbm>>
    %dma_wait3A_427 = tpu.memref_squeeze %dma_wait3A_426 : memref<1x50x32xf32, #tpu.memory_space<hbm>> -> memref<50x32xf32, #tpu.memory_space<hbm>>
    %dma_wait3A_428 = arith.constant 0 : i32
    %dma_wait3A_429 = arith.constant 0 : i32
    %dma_wait3A_430 = tpu.memref_slice %arg6[%rem3A_19, %dma_wait3A_428, %dma_wait3A_429] : memref<2x800x32xf32, #tpu.memory_space<vmem>> -> memref<1x800x32xf32, #tpu.memory_space<vmem>>
    %dma_wait3A_431 = tpu.memref_squeeze %dma_wait3A_430 : memref<1x800x32xf32, #tpu.memory_space<vmem>> -> memref<800x32xf32, #tpu.memory_space<vmem>>
    %dma_wait3A_432 = arith.constant 750 : i32
    %dma_wait3A_433 = arith.constant 0 : i32
    %dma_wait3A_434 = tpu.memref_slice %dma_wait3A_431[%dma_wait3A_432, %dma_wait3A_433] : memref<800x32xf32, #tpu.memory_space<vmem>> -> memref<50x32xf32, #tpu.memory_space<vmem>>
    tpu.wait_dma2 semaphore(%arg8 : memref<!tpu.dma_semaphore, #tpu.memory_space<semaphore_mem>>) src(%dma_wait3A_434 : memref<50x32xf32, #tpu.memory_space<vmem>>) dst(%dma_wait3A_427 : memref<50x32xf32, #tpu.memory_space<hbm>>)
    return
  }
}

</mosaic_0001>

<sc_bundles>
// kernel: kernel.3.cloned.1.call-start
scs
__scs_entry_jumppad:
0x0: {  	(pc) =	sbr.rel $0x88, $3  }
0x1: {  	(tag) =	ssettag $0x0;
	lr =	simm.s32 $0x1  }
0x2: {  	[smem:$0x3F9F] =	sst lr;
	_ =	strace $0xD0000000  }
0x3: {  	_ = 	snop  }
0x4: {  	_ = 	snop  }
0x5: {  	_ = 	snop  }
0x6: {  	_ = 	snop  }
0x7: {  	_ = 	snop  }
__scs_overlays_trampoline_lowered:
0x8: {  	[smem:$0x3FAE] =	sst s0  }
0x9: {  	[smem:$0x3FAF] =	sst s1  }
0xa: {  	[smem:$0x3FB0] =	sst s2  }
0xb: {  	[smem:$0x3FB1] =	sst s3  }
0xc: {  	[smem:$0x3FB2] =	sst s4  }
0xd: {  	[smem:$0x3FB3] =	sst s5  }
0xe: {  	[smem:$0x3FB4] =	sst s6  }
0xf: {  	[smem:$0x3FB5] =	sst s7  }
0x10: {  	[smem:$0x3FB6] =	sst s8  }
0x11: {  	[smem:$0x3FB7] =	sst s9;
	s0 =	simm.s32 @!p0 $0x0  }
0x12: {  	s1 =	sld [smem:$0x3F9D];
	s0 =	simm.s32 @p0 $0x1  }
0x13: {  	[smem:$0x3FB8] =	sst s0;
	s0 =	simm.s32 @!p1 $0x0  }
0x14: {  	s2 =	sld [smem:$0x3F9C];
	s0 =	simm.s32 @p1 $0x1  }
0x15: {  	[smem:$0x3FB9] =	sst s0;
	s0 =	simm.s32 @!p2 $0x0  }
0x16: {  	s3 =	sld [smem:$0x3FDB];
	s0 =	simm.s32 @p2 $0x1  }
0x17: {  	s4 =	simm.s32 $0x1BF5;
	[smem:$0x3FBB] =	sst s0  }
0x18: {  	s0 =	sld [smem:$0x3F9E];
	_ =	swait.ge [sflag:s4], $0x0  }
0x19: {  	s7 =	sld [smem:$0x3F9F]  }
0x1a: {  	s8 =	sadd.s32 $0xFFFFE003, lr  }
0x1b: {  	s9 =	sadd.s32 $0xFFFFFEF7, lr;
	s5 =	simm.s32 $0xFFFFFFFF;
	p2 =	slt.u32 s8, $0xFFFFF086  }
0x1c: {  	p1 =	slt.u32 s9, $0xF7A;
	s5 =	simm.s32 @!p2 $0x0  }
0x1d: {  	s5 =	simm.s32 @p1 $0x1;
	p0 =	seq.s32 s7, s2  }
0x1e: {  	s7 =	smul.u32 @!p0 $0xF7A, s2;
	p2 =	seq.s32 @!p0 s5, $0x0  }
0x1f: {  	s9 =	smul.u32 $0xF7A, s1;
	s8 =	simm.s32 @!p0 $0x1BF5;
	p2 =	por !p2, p0  }
0x20: {  	[sflag:s8] =	ssyncset.s32 @!p0 $0xFFFFF086;
	s6 =	sadd.s32 @!p0 s3, s7;
	s7 =	simm.s32 @!p0 $0x108  }
0x21: {  	s3 =	sadd.s32 s3, s9;
	s6 =	sadd.s32 @!p0 $0x88, s6;
	s7 =	simm.s32 @p2 $0x1082  }
0x22: {  	[simem:s7], [sflag:s8] =	dma.local @!p0 [hbm:s6], $0xF7A  }
0x23: {  	s9 =	sor.u32 $0xD0000000, s2;
	s6 =	simm.s32 $0x108;
	_ =	swait.ge @!p0 [sflag:s8], $0x0  }
0x24: {  	s3 =	sadd.s32 $0x88, s3;
	s6 =	simm.s32 @!p1 $0x1082;
	[sflag:s4] =	ssyncset.s32 $0xFFFFF086  }
0x25: {  	[simem:s6], [sflag:s4] =	dma.local [hbm:s3], $0xF7A  }
0x26: {  	[smem:$0x3F9F] =	sst s1;
	(tag) =	ssettag s2;
	_ =	strace s9  }
0x27: {  	s1 =	sld [smem:$0x3FAF]  }
0x28: {  	s2 =	sld [smem:$0x3FB0]  }
0x29: {  	s4 =	sld [smem:$0x3FB2]  }
0x2a: {  	p0 =	seq.s32 s5, $0x0;
	s5 =	sld [smem:$0x3FB3]  }
0x2b: {  	s6 =	sld [smem:$0x3FB4]  }
0x2c: {  	s7 =	sld [smem:$0x3FB5]  }
0x2d: {  	s3 =	simm.s32 $0x108;
	s8 =	sld [smem:$0x3FB6]  }
0x2e: {  	s3 =	simm.s32 @!p0 $0x1082;
	s9 =	sld [smem:$0x3FB7]  }
0x2f: {  	lr =	sadd.s32 s0, s3;
	s0 =	sld [smem:$0x3FAE]  }
0x30: {  	s3 =	sld [smem:$0x3FB1]  }
0x31: {  	[smem:$0x3FBA] =	sst s10  }
0x32: {  	s10 =	sld [smem:$0x3FB8];
	_ =	sdelay $0x3  }
0x33: {  	p0 =	seq.s32 s10, $0x1;
	s10 =	sld [smem:$0x3FBA];
	_ =	sdelay $0x3  }
0x34: {  	[smem:$0x3FBA] =	sst s10  }
0x35: {  	s10 =	sld [smem:$0x3FB9];
	_ =	sdelay $0x3  }
0x36: {  	p1 =	seq.s32 s10, $0x1;
	s10 =	sld [smem:$0x3FBA];
	_ =	sdelay $0x3  }
0x37: {  	[smem:$0x3FBA] =	sst s10  }
0x38: {  	s10 =	sld [smem:$0x3FBB]  }
0x39: {  	_ = 	snop;
	(pc) =	sbr.ind lr, $3  }
0x3a: {  	_ = 	snop  }
0x3b: {  	_ = 	snop  }
0x3c: {  	p2 =	seq.s32 s10, $0x1;
	s10 =	sld [smem:$0x3FBA]  }
0x3d: {  	_ =	shalt  }
0x3e: {  	_ =	shalt  }
0x3f: {  	_ =	shalt  }
0x40: {  	_ =	shalt  }
0x41: {  	_ =	shalt  }
0x42: {  	_ =	shalt  }
0x43: {  	_ =	shalt  }
0x44: {  	_ =	shalt  }
0x45: {  	_ =	shalt  }
0x46: {  	_ =	shalt  }
0x47: {  	_ =	shalt  }
0x48: {  	_ =	shalt  }
0x49: {  	_ =	shalt  }
0x4a: {  	_ =	shalt  }
0x4b: {  	_ =	shalt  }
0x4c: {  	_ =	shalt  }
0x4d: {  	_ =	shalt  }
0x4e: {  	_ =	shalt  }
0x4f: {  	_ =	shalt  }
0x50: {  	_ =	shalt  }
0x51: {  	_ =	shalt  }
0x52: {  	_ =	shalt  }
0x53: {  	_ =	shalt  }
0x54: {  	_ =	shalt  }
0x55: {  	_ =	shalt  }
0x56: {  	_ =	shalt  }
0x57: {  	_ =	shalt  }
0x58: {  	_ =	shalt  }
0x59: {  	_ =	shalt  }
0x5a: {  	_ =	shalt  }
0x5b: {  	_ =	shalt  }
0x5c: {  	_ =	shalt  }
0x5d: {  	_ =	shalt  }
0x5e: {  	_ =	shalt  }
0x5f: {  	_ =	shalt  }
0x60: {  	_ =	shalt  }
0x61: {  	_ =	shalt  }
0x62: {  	_ =	shalt  }
0x63: {  	_ =	shalt  }
0x64: {  	_ =	shalt  }
0x65: {  	_ =	shalt  }
0x66: {  	_ =	shalt  }
0x67: {  	_ =	shalt  }
0x68: {  	_ =	shalt  }
0x69: {  	_ =	shalt  }
0x6a: {  	_ =	shalt  }
0x6b: {  	_ =	shalt  }
0x6c: {  	_ =	shalt  }
0x6d: {  	_ =	shalt  }
0x6e: {  	_ =	shalt  }
0x6f: {  	_ =	shalt  }
0x70: {  	_ =	shalt  }
0x71: {  	_ =	shalt  }
0x72: {  	_ =	shalt  }
0x73: {  	_ =	shalt  }
0x74: {  	_ =	shalt  }
0x75: {  	_ =	shalt  }
0x76: {  	_ =	shalt  }
0x77: {  	_ =	shalt  }
0x78: {  	_ =	shalt  }
0x79: {  	_ =	shalt  }
0x7a: {  	_ =	shalt  }
0x7b: {  	_ =	shalt  }
0x7c: {  	_ =	shalt  }
0x7d: {  	_ =	shalt  }
0x7e: {  	_ =	shalt  }
0x7f: {  	_ =	shalt  }
0x80: {  	_ =	shalt  }
0x81: {  	_ =	shalt  }
0x82: {  	_ =	shalt  }
0x83: {  	_ =	shalt  }
0x84: {  	_ =	shalt  }
0x85: {  	_ =	shalt  }
0x86: {  	_ =	shalt  }
0x87: {  	_ =	shalt  }
.Lfunc_end0:
.L_simem_size_0:
called_computation.1_lowered:
.L_overlay_start_0:
0x88: {  	s2 =	sld [smem:$0x3FD9]  }
0x89: {  	s3 =	sld [smem:$0x3FFE];
	_ =	sdelay $0x1  }
0x8a: {  	s1 =	srdreg.scid  }
0x8b: {  	s0 =	sand.u32 $0x1, s1  }
0x8c: {  	s17 =	sshll.u32 s0, $0xA;
	s2 =	sadd.s32 s3, s2  }
0x8d: {  	s2 =	sadd.s32 s2, s17  }
0x8e: {  	[smem:$0x3FC6] =	sst s2  }
0x8f: {  	_ = 	snop  }
0x90: {  	s2 =	sld [smem:$0x3FD0];
	(tm) =	ssettm $0x1  }
0x91: {  	s18 =	sld [smem:$0x3FFB];
	_ =	sdelay $0x3  }
0x92: {  	_ =	strace s18  }
0x93: {  	s3 =	sld [smem:$0x3FFC];
	_ =	sdelay $0x3  }
0x94: {  	_ =	strace s3  }
0x95: {  	s3 =	sld [smem:$0x3FFD];
	_ =	sdelay $0x3  }
0x96: {  	_ =	strace s3  }
0x97: {  	_ =	strace $0x8FFFFFFF  }
0x98: {  	s19 =	sld [smem:$0x3FDB];
	_ =	sdelay $0x1  }
0x99: {  	s4 =	simm.s32 $_scs_section_size  }
0x9a: {  	s5 =	simm.s32 $_size__tile_overlayer_lowered;
	s6 =	simm.s32 $_tile_overlayer_lowered  }
0x9b: {  	s22 =	simm.s32 $0x1BFF;
	s21 =	sshll.u32 s6, $0x1;
	s3 =	sadd.s32 s4, s19  }
0x9c: {  	s7 =	simm.s32 $0x0;
	s20 =	sshll.u32 s5, $0x1;
	s5 =	sadd.s32 s21, s3  }
0x9d: {  	[timem:s7], [sflag:s22] =	dma.local [hbm:s5], s20  }
0x9e: {  	_ =	swait.ge [sflag:s22], s20  }
0x9f: {  	s4 =	ssub.s32 $0x0, s20;
	[sflag:s22] =	ssyncset.done $0x0  }
0xa0: {  	[sflag:s22] =	ssyncadd.s32 s4;
	_ =	sdelay $0x1  }
0xa1: {  	s23 =	simm.s32 $0x1B8B  }
0xa2: {  	_ =	swait.ge [sflag:s23], $0x1  }
0xa3: {  	[sflag:s23] =	ssyncset.done $0x0  }
0xa4: {  	s25 =	simm.s32 $0x1B8E;
	s24 =	sld [smem:$0x3FFE];
	[sflag:s23] =	ssyncadd.s32 $0xFFFFFFFF  }
0xa5: {  	s26 =	simm.s32 $execute0_lowered;
	[smem:$0x3FD2] =	sst s25  }
0xa6: {  	s5 =	sshll.u32 s26, $0x1;
	_ =	strace $0x80000046;
	[dreg:$0x1] =	wrdreg $0xFFFFFFFF  }
0xa7: {  	s28 =	simm.s32 $_size_execute0_lowered;
	s3 =	sadd.s32 s3, s5;
	[dreg:$0x0] =	wrdreg $0x0  }
0xa8: {  	s5 =	sshll.u32 s28, $0x1;
	[dreg:$0x2] =	wrdreg s3  }
0xa9: {  	[dreg:$0x3] =	wrdreg s5  }
0xaa: {  	[dreg:$0x4] =	wrdreg $0xC0  }
0xab: {  	_ =	task [dreg:s7], $0x5FFFF  }
0xac: {  	[dreg:$0x1] =	wrdreg $0xFFFFFFFF  }
0xad: {  	[dreg:$0x0] =	wrdreg $0x60  }
0xae: {  	[dreg:$0x2] =	wrdreg s24  }
0xaf: {  	[dreg:$0x3] =	wrdreg s2  }
0xb0: {  	[dreg:$0x4] =	wrdreg $0x9  }
0xb1: {  	_ =	task.clear_ibuf [dreg:s7], $0x5FFFF;
	_ =	strace $0x90000046  }
0xb2: {  	s29 =	simm.s32 $0x9;
	_ =	strace $0x80000048  }
0xb3: {  	_ =	swait.ge [sflag:s29], $0x1  }
0xb4: {  	[sflag:s29] =	ssyncadd.s32 $0xFFFFFFFF  }
0xb5: {  	_ =	strace $0x90000048  }
0xb6: {  	_ =	sfence  }
0xb7: {  	s30 =	sld [smem:$0x0];
	_ =	sdelay $0x2  }
0xb8: {  	s31 =	sshll.u32 s1, $0xD;
	s1 =	sshrl.u32 s1, $0x2  }
0xb9: {  	s3 =	sand.u32 $0x4000, s31;
	s1 =	sadd.s32 s1, s30  }
0xba: {  	s0 =	sor.u32 s3, s0;
	s1 =	sshll.u32 s1, $0x11  }
0xbb: {  	s0 =	sor.u32 s1, s0  }
0xbc: {  	s0 =	sadd.s32 $0x8F2B, s0  }
0xbd: {  	[sflag:s0] =	ssyncadd.remote.s32 $0x1  }
0xbe: {  	_ =	sfence.sel $0xFFFF  }
0xbf: {  	[dreg:$0x0] =	wrdreg $0xFFFFFFFF;
	(pc) =	sbr.abs _section_cstart, $3  }
0xc0: {  	[dreg:$0x1] =	wrdreg $0xFFFFFFFF  }
0xc1: {  	_ =	task.clear_ibuf [dreg:s7], $0x2FFFF;
	_ =	strace $0x9FFFFFFF  }
0xc2: {  	(tm) =	ssettm $0x7FFFFFFF  }
0xc3: {  	_ =	shalt  }
tec
execute0_lowered:
.L_overlay_start_1:
0x0: {  	(tag) =	ssettag $0x1  }
0x1: {  	s1 =	srdreg.scid;
	s3 =	rddreg [dreg:$0x0]  }
0x2: {  	s0 =	stileid.u32;
	s20 =	rddreg [dreg:$0x1];
	s2 =	simm.s32 $0x0  }
0x3: {  	s25 =	simm.s32 $0x1;
	s28 =	simm.s32 $0x0;
	s5 =	smul.u32 $0x190000, s0  }
0x4: {  	s19 =	sand.u32 $0x1, s1;
	s26 =	sshll.u32 s0, $0x1;
	s22 =	smul.u32 $0x32000, s0  }
0x5: {  	[smem:$0x7FF] =	sst s2;
	s1 =	sor.u32 s19, s26;
	s6 =	smul.u32 $0xC8000, s19  }
0x6: {  	_ =	strace $0x80000047;
	s7 =	ssub.s32 $0x2, s19;
	s24 =	smul.u32 $0x19000, s19  }
0x7: {  	s26 =	simm.s32 $0x2;
	s4 =	smul.u32 $0xC80, s1;
	s29 =	sshrl.u32 s7, $0x1  }
0x8: {  	s22 =	sadd.s32 s22, s20;
	s21 =	sadd.s32 s6, s5;
	s5 =	ssub.s32 s7, s29  }
0x9: {  	s4 =	sadd.s32 s4, s3;
	s3 =	sadd.s32 $0xF42E00, s3;
	s6 =	sor.u32 $0x5DC0, s21  }
0xa: {  	s5 =	smax.u32 s5, $0x1;
	s30 =	sor.u32 $0x5780, s21;
	s8 =	sor.u32 $0x5140, s21  }
0xb: {  	s9 =	sor.u32 $0x4B00, s21;
	s10 =	sor.u32 $0x44C0, s21;
	s11 =	sor.u32 $0x3E80, s21  }
0xc: {  	s12 =	sor.u32 $0x3840, s21;
	s13 =	sor.u32 $0x3200, s21;
	s14 =	sor.u32 $0x2BC0, s21  }
0xd: {  	s15 =	sor.u32 $0x2580, s21;
	s16 =	sor.u32 $0x1F40, s21;
	s17 =	sor.u32 $0x1900, s21  }
0xe: {  	s18 =	sor.u32 $0x12C0, s21;
	s23 =	sor.u32 $0xC80, s21;
	s21 =	sor.u32 $0x640, s21  }
0xf: {  	s4 =	sadd.s32 $0xA00, s4;
	s6 =	sshrl.u32 s6, $0x3;
	s7 =	sshrl.u32 s30, $0x3  }
0x10: {  	s8 =	sshrl.u32 s8, $0x3;
	s9 =	sshrl.u32 s9, $0x3;
	s10 =	sshrl.u32 s10, $0x3  }
0x11: {  	s11 =	sshrl.u32 s11, $0x3;
	s12 =	sshrl.u32 s12, $0x3;
	s13 =	sshrl.u32 s13, $0x3  }
0x12: {  	s14 =	sshrl.u32 s14, $0x3;
	s15 =	sshrl.u32 s15, $0x3;
	s16 =	sshrl.u32 s16, $0x3  }
0x13: {  	s17 =	sshrl.u32 s17, $0x3;
	s18 =	sshrl.u32 s18, $0x3;
	s31 =	sshrl.u32 s23, $0x3  }
0x14: {  	s21 =	sshrl.u32 s21, $0x3;
	s23 =	simm.s32 $0x320;
	s6 =	sadd.s32 s6, s20  }
0x15: {  	s7 =	sadd.s32 s7, s20;
	s8 =	sadd.s32 s8, s20;
	s9 =	sadd.s32 s9, s20  }
.Ltmp0:
0x16: {  	s10 =	sadd.s32 s10, s20;
	s11 =	sadd.s32 s11, s20;
	(pc) =	sbr.rel .LBB2_1-.Ltmp0, $4  }
0x17: {  	s12 =	sadd.s32 s12, s20;
	s13 =	sadd.s32 s13, s20;
	s14 =	sadd.s32 s14, s20  }
0x18: {  	s15 =	sadd.s32 s15, s20;
	s16 =	sadd.s32 s16, s20;
	s17 =	sadd.s32 s17, s20  }
0x19: {  	s18 =	sadd.s32 s18, s20;
	s19 =	sadd.s32 s31, s20;
	s20 =	sadd.s32 s21, s20  }
0x1a: {  	s21 =	sadd.s32 s24, s22;
	s22 =	simm.s32 $0x3;
	s24 =	simm.s32 $0x6400  }
.LBB2_5:
0x1b: {  	_ =	swait.ge [sflag:s26], $0x640  }
0x1c: {  	[sflag:s26] =	ssyncset.done $0x0  }
0x1d: {  	[sflag:s26] =	ssyncadd.s32 $0xFFFFF9C0  }
0x1e: {  	_ =	swait.ge [sflag:s26], $0x640  }
0x1f: {  	[sflag:s26] =	ssyncset.done $0x0  }
0x20: {  	[sflag:s26] =	ssyncadd.s32 $0xFFFFF9C0  }
0x21: {  	_ =	swait.ge [sflag:s26], $0x640  }
0x22: {  	[sflag:s26] =	ssyncset.done $0x0  }
0x23: {  	[sflag:s26] =	ssyncadd.s32 $0xFFFFF9C0  }
0x24: {  	_ =	swait.ge [sflag:s26], $0x640  }
0x25: {  	[sflag:s26] =	ssyncset.done $0x0  }
0x26: {  	[sflag:s26] =	ssyncadd.s32 $0xFFFFF9C0  }
0x27: {  	_ =	swait.ge [sflag:s26], $0x640  }
0x28: {  	[sflag:s26] =	ssyncset.done $0x0  }
0x29: {  	[sflag:s26] =	ssyncadd.s32 $0xFFFFF9C0  }
0x2a: {  	_ =	swait.ge [sflag:s26], $0x640  }
0x2b: {  	[sflag:s26] =	ssyncset.done $0x0  }
0x2c: {  	[sflag:s26] =	ssyncadd.s32 $0xFFFFF9C0  }
0x2d: {  	_ =	swait.ge [sflag:s26], $0x640  }
0x2e: {  	[sflag:s26] =	ssyncset.done $0x0  }
0x2f: {  	[sflag:s26] =	ssyncadd.s32 $0xFFFFF9C0  }
0x30: {  	_ =	swait.ge [sflag:s26], $0x640  }
0x31: {  	[sflag:s26] =	ssyncset.done $0x0  }
0x32: {  	[sflag:s26] =	ssyncadd.s32 $0xFFFFF9C0  }
0x33: {  	_ =	swait.ge [sflag:s26], $0x640  }
0x34: {  	[sflag:s26] =	ssyncset.done $0x0  }
0x35: {  	[sflag:s26] =	ssyncadd.s32 $0xFFFFF9C0  }
0x36: {  	_ =	swait.ge [sflag:s26], $0x640  }
0x37: {  	[sflag:s26] =	ssyncset.done $0x0  }
0x38: {  	[sflag:s26] =	ssyncadd.s32 $0xFFFFF9C0  }
0x39: {  	_ =	swait.ge [sflag:s26], $0x640  }
0x3a: {  	[sflag:s26] =	ssyncset.done $0x0  }
0x3b: {  	[sflag:s26] =	ssyncadd.s32 $0xFFFFF9C0  }
0x3c: {  	_ =	swait.ge [sflag:s26], $0x640  }
0x3d: {  	[sflag:s26] =	ssyncset.done $0x0  }
0x3e: {  	[sflag:s26] =	ssyncadd.s32 $0xFFFFF9C0  }
0x3f: {  	_ =	swait.ge [sflag:s26], $0x640  }
0x40: {  	[sflag:s26] =	ssyncset.done $0x0  }
0x41: {  	[sflag:s26] =	ssyncadd.s32 $0xFFFFF9C0  }
0x42: {  	_ =	swait.ge [sflag:s26], $0x640  }
0x43: {  	[sflag:s26] =	ssyncset.done $0x0  }
0x44: {  	s28 =	sadd.s32 $0x1, s28;
	[sflag:s26] =	ssyncadd.s32 $0xFFFFF9C0  }
0x45: {  	p0 =	sne.s32 s28, s5;
	_ =	swait.ge [sflag:s26], $0x640  }
.Ltmp1:
0x46: {  	[sflag:s26] =	ssyncset.done $0x0;
	(pc) =	sbr.rel @!p0 .LBB2_6-.Ltmp1, $4  }
0x47: {  	[sflag:s26] =	ssyncadd.s32 $0xFFFFF9C0  }
0x48: {  	_ =	swait.ge [sflag:s26], $0x640  }
0x49: {  	[sflag:s26] =	ssyncset.done $0x0  }
0x4a: {  	[sflag:s26] =	ssyncadd.s32 $0xFFFFF9C0  }
.LBB2_1:
0x4b: {  	[tilespmem:s2], [sflag:$0x3] =	stream.linear.gather [hbm4b:s4+s2], $0x6400, $0x38;
	[tilespmem:$0x12C00] =	vst v63  }
.Ltmp2:
0x4c: {  	_ = 	snop;
	(pc) =	sbr.rel .LBB2_2-.Ltmp2, $4  }
0x4d: {  	_ =	swait.ge [sflag:s22], $0x6400  }
0x4e: {  	[sflag:s22] =	ssyncset.done $0x0  }
0x4f: {  	s29 =	simm.s32 $0x1;
	s30 =	simm.s32 $0x0;
	[sflag:s22] =	ssyncadd.s32 $0xFFFF9C00  }
0x50: {  	[tilespmem:s24], [sflag:$0x1] =	stream.indirect.gather [hbm4b:s3+s23], $0x20, s2, s23, $0xb8;
	[tilespmem:$0x12C00] =	vst v63  }
.LBB2_4:
0x51: {  	s1 =	sadd.s32 $0xFFFFFFFF, s29  }
0x52: {  	s1 =	sand.u32 $0x1, s1  }
0x53: {  	_ =	swait.ge [sflag:s25], $0x6400;
	p0 =	seq.s32 s1, $0x1;
	s1 =	simm.s32 $0x6400  }
0x54: {  	[sflag:s25] =	ssyncset.done $0x0;
	s1 =	simm.s32 @!p0 $0x0  }
0x55: {  	s0 =	sadd.s32 s30, s21;
	[sflag:s25] =	ssyncadd.s32 $0xFFFF9C00;
	s31 =	sadd.s32 $0x6400, s1  }
0x56: {  	[hbm4b:s0+s2] =	stream.linear.scatter [tilespmem:s31], [sflag:$0x2], $0x640, $0x38;
	[tilespmem:$0x12C00] =	vst v63  }
0x57: {  	s0 =	sadd.s32 s30, s20;
	s31 =	sadd.s32 $0x6A40, s1  }
0x58: {  	[hbm4b:s0+s2] =	stream.linear.scatter [tilespmem:s31], [sflag:$0x2], $0x640, $0x38;
	[tilespmem:$0x12C00] =	vst v63  }
0x59: {  	s0 =	sadd.s32 s30, s19;
	s31 =	sadd.s32 $0x7080, s1  }
0x5a: {  	[hbm4b:s0+s2] =	stream.linear.scatter [tilespmem:s31], [sflag:$0x2], $0x640, $0x38;
	[tilespmem:$0x12C00] =	vst v63  }
0x5b: {  	s0 =	sadd.s32 s30, s18;
	s31 =	sadd.s32 $0x76C0, s1  }
0x5c: {  	[hbm4b:s0+s2] =	stream.linear.scatter [tilespmem:s31], [sflag:$0x2], $0x640, $0x38;
	[tilespmem:$0x12C00] =	vst v63  }
0x5d: {  	s0 =	sadd.s32 s30, s17;
	s31 =	sadd.s32 $0x7D00, s1  }
0x5e: {  	[hbm4b:s0+s2] =	stream.linear.scatter [tilespmem:s31], [sflag:$0x2], $0x640, $0x38;
	[tilespmem:$0x12C00] =	vst v63  }
0x5f: {  	s0 =	sadd.s32 s30, s16;
	s31 =	sor.u32 $0x8340, s1  }
0x60: {  	[hbm4b:s0+s2] =	stream.linear.scatter [tilespmem:s31], [sflag:$0x2], $0x640, $0x38;
	[tilespmem:$0x12C00] =	vst v63  }
0x61: {  	s0 =	sadd.s32 s30, s15;
	s31 =	sor.u32 $0x8980, s1  }
0x62: {  	[hbm4b:s0+s2] =	stream.linear.scatter [tilespmem:s31], [sflag:$0x2], $0x640, $0x38;
	[tilespmem:$0x12C00] =	vst v63  }
0x63: {  	s0 =	sadd.s32 s30, s14;
	s31 =	sadd.s32 $0x8FC0, s1  }
0x64: {  	[hbm4b:s0+s2] =	stream.linear.scatter [tilespmem:s31], [sflag:$0x2], $0x640, $0x38;
	[tilespmem:$0x12C00] =	vst v63  }
0x65: {  	s0 =	sadd.s32 s30, s13;
	s31 =	sadd.s32 $0x9600, s1  }
0x66: {  	[hbm4b:s0+s2] =	stream.linear.scatter [tilespmem:s31], [sflag:$0x2], $0x640, $0x38;
	[tilespmem:$0x12C00] =	vst v63  }
0x67: {  	s0 =	sadd.s32 s30, s12;
	s31 =	sadd.s32 $0x9C40, s1  }
0x68: {  	[hbm4b:s0+s2] =	stream.linear.scatter [tilespmem:s31], [sflag:$0x2], $0x640, $0x38;
	[tilespmem:$0x12C00] =	vst v63  }
0x69: {  	s0 =	sadd.s32 s30, s11;
	s31 =	sadd.s32 $0xA280, s1  }
0x6a: {  	[hbm4b:s0+s2] =	stream.linear.scatter [tilespmem:s31], [sflag:$0x2], $0x640, $0x38;
	[tilespmem:$0x12C00] =	vst v63  }
0x6b: {  	s0 =	sadd.s32 s30, s10;
	s31 =	sadd.s32 $0xA8C0, s1  }
0x6c: {  	[hbm4b:s0+s2] =	stream.linear.scatter [tilespmem:s31], [sflag:$0x2], $0x640, $0x38;
	[tilespmem:$0x12C00] =	vst v63  }
0x6d: {  	s0 =	sadd.s32 s30, s9;
	s31 =	sadd.s32 $0xAF00, s1  }
0x6e: {  	[hbm4b:s0+s2] =	stream.linear.scatter [tilespmem:s31], [sflag:$0x2], $0x640, $0x38;
	[tilespmem:$0x12C00] =	vst v63  }
0x6f: {  	s0 =	sadd.s32 s30, s8;
	s31 =	sadd.s32 $0xB540, s1  }
0x70: {  	[hbm4b:s0+s2] =	stream.linear.scatter [tilespmem:s31], [sflag:$0x2], $0x640, $0x38;
	[tilespmem:$0x12C00] =	vst v63  }
0x71: {  	s0 =	sadd.s32 s30, s7;
	s31 =	sadd.s32 $0xBB80, s1  }
0x72: {  	[hbm4b:s0+s2] =	stream.linear.scatter [tilespmem:s31], [sflag:$0x2], $0x640, $0x38;
	[tilespmem:$0x12C00] =	vst v63  }
0x73: {  	s31 =	sadd.s32 s30, s6;
	s30 =	sadd.s32 $0xC80, s30  }
0x74: {  	p0 =	sne.s32 s30, $0x19000  }
.Ltmp3:
0x75: {  	_ = 	snop;
	(pc) =	sbr.rel @!p0 .LBB2_5-.Ltmp3, $3  }
0x76: {  	_ =	sdelay $0x1  }
0x77: {  	s29 =	sadd.s32 $0x1, s29;
	s1 =	sadd.s32 $0xC1C0, s1  }
0x78: {  	[hbm4b:s31+s2] =	stream.linear.scatter [tilespmem:s1], [sflag:$0x2], $0x640, $0x38;
	[tilespmem:$0x12C00] =	vst v63  }
.LBB2_2:
0x79: {  	p0 =	seq.s32 s30, $0x0  }
0x7a: {  	s31 =	simm.s32 @!p0 $0x2  }
0x7b: {  	_ =	swait.ge @!p0 [sflag:s31], $0x640  }
0x7c: {  	[sflag:s31] =	ssyncset.done @!p0 $0x0  }
0x7d: {  	[sflag:s31] =	ssyncadd.s32 @!p0 $0xFFFFF9C0  }
0x7e: {  	_ =	swait.ge @!p0 [sflag:s31], $0x640  }
0x7f: {  	[sflag:s31] =	ssyncset.done @!p0 $0x0  }
0x80: {  	[sflag:s31] =	ssyncadd.s32 @!p0 $0xFFFFF9C0  }
0x81: {  	_ =	swait.ge @!p0 [sflag:s31], $0x640  }
0x82: {  	[sflag:s31] =	ssyncset.done @!p0 $0x0  }
0x83: {  	[sflag:s31] =	ssyncadd.s32 @!p0 $0xFFFFF9C0  }
0x84: {  	_ =	swait.ge @!p0 [sflag:s31], $0x640  }
0x85: {  	[sflag:s31] =	ssyncset.done @!p0 $0x0  }
0x86: {  	[sflag:s31] =	ssyncadd.s32 @!p0 $0xFFFFF9C0  }
0x87: {  	_ =	swait.ge @!p0 [sflag:s31], $0x640  }
0x88: {  	[sflag:s31] =	ssyncset.done @!p0 $0x0  }
0x89: {  	[sflag:s31] =	ssyncadd.s32 @!p0 $0xFFFFF9C0  }
0x8a: {  	_ =	swait.ge @!p0 [sflag:s31], $0x640  }
0x8b: {  	[sflag:s31] =	ssyncset.done @!p0 $0x0  }
0x8c: {  	[sflag:s31] =	ssyncadd.s32 @!p0 $0xFFFFF9C0  }
0x8d: {  	_ =	swait.ge @!p0 [sflag:s31], $0x640  }
0x8e: {  	[sflag:s31] =	ssyncset.done @!p0 $0x0  }
0x8f: {  	[sflag:s31] =	ssyncadd.s32 @!p0 $0xFFFFF9C0  }
0x90: {  	_ =	swait.ge @!p0 [sflag:s31], $0x640  }
0x91: {  	[sflag:s31] =	ssyncset.done @!p0 $0x0  }
0x92: {  	[sflag:s31] =	ssyncadd.s32 @!p0 $0xFFFFF9C0  }
0x93: {  	_ =	swait.ge @!p0 [sflag:s31], $0x640  }
0x94: {  	[sflag:s31] =	ssyncset.done @!p0 $0x0  }
0x95: {  	[sflag:s31] =	ssyncadd.s32 @!p0 $0xFFFFF9C0  }
0x96: {  	_ =	swait.ge @!p0 [sflag:s31], $0x640  }
0x97: {  	[sflag:s31] =	ssyncset.done @!p0 $0x0  }
0x98: {  	[sflag:s31] =	ssyncadd.s32 @!p0 $0xFFFFF9C0  }
0x99: {  	_ =	swait.ge @!p0 [sflag:s31], $0x640  }
0x9a: {  	[sflag:s31] =	ssyncset.done @!p0 $0x0  }
0x9b: {  	[sflag:s31] =	ssyncadd.s32 @!p0 $0xFFFFF9C0  }
0x9c: {  	_ =	swait.ge @!p0 [sflag:s31], $0x640  }
0x9d: {  	[sflag:s31] =	ssyncset.done @!p0 $0x0  }
0x9e: {  	[sflag:s31] =	ssyncadd.s32 @!p0 $0xFFFFF9C0  }
0x9f: {  	_ =	swait.ge @!p0 [sflag:s31], $0x640  }
0xa0: {  	[sflag:s31] =	ssyncset.done @!p0 $0x0  }
0xa1: {  	[sflag:s31] =	ssyncadd.s32 @!p0 $0xFFFFF9C0  }
0xa2: {  	_ =	swait.ge @!p0 [sflag:s31], $0x640  }
0xa3: {  	[sflag:s31] =	ssyncset.done @!p0 $0x0  }
0xa4: {  	p1 =	seq.s32 @!p0 s30, $0x18380;
	[sflag:s31] =	ssyncadd.s32 @!p0 $0xFFFFF9C0  }
0xa5: {  	p1 =	por p0, !p1;
	_ =	swait.ge @!p0 [sflag:s31], $0x640  }
.Ltmp4:
0xa6: {  	[sflag:s31] =	ssyncset.done @!p0 $0x0;
	(pc) =	sbr.rel @!p1 .LBB2_4-.Ltmp4, $4  }
0xa7: {  	[sflag:s31] =	ssyncadd.s32 @!p0 $0xFFFFF9C0  }
0xa8: {  	_ =	swait.ge @!p0 [sflag:s31], $0x640  }
0xa9: {  	[sflag:s31] =	ssyncset.done @!p0 $0x0  }
0xaa: {  	[sflag:s31] =	ssyncadd.s32 @!p0 $0xFFFFF9C0  }
.Ltmp5:
0xab: {  	(pc) =	sbr.rel .LBB2_4-.Ltmp5, $4  }
0xac: {  	s31 =	sand.u32 $0x1, s29  }
0xad: {  	s1 =	sshra.s32 s30, $0x2;
	p0 =	seq.s32 s31, $0x1;
	s31 =	simm.s32 $0xC800  }
0xae: {  	s1 =	sadd.s32 $0x320, s1;
	s31 =	simm.s32 @!p0 $0x6400  }
0xaf: {  	[tilespmem:s31], [sflag:$0x1] =	stream.indirect.gather [hbm4b:s3+s23], $0x20, s1, s23, $0xb8;
	[tilespmem:$0x12C00] =	vst v63  }
.LBB2_6:
0xb0: {  	_ =	sfence.sel $0x180000  }
0xb1: {  	[bflag:$0x0] =	sbarrier.arrive $0xFFFF  }
0xb2: {  	_ =	strace $0x90000047  }
0xb3: {  	s0 =	stileid.u32;
	[bflag:$0x2] =	sbarrier.arrive $0xFFFF  }
0xb4: {  	p0 =	sne.s32 s0, $0x0;
	s0 =	rddreg [dreg:$0x2]  }
0xb5: {  	s0 =	sadd.s32 @!p0 $0x100000, s0  }
0xb6: {  	[sflag:s0] =	ssyncadd.tile.s32 @!p0 $0x1;
	_ =	shalt  }
.Lfunc_end2:
_tile_overlayer_lowered:
.L_overlay_start_2:
0xb7: {  	(tag) =	ssettag $0x2  }
0xb8: {  	s0 =	rddreg [dreg:$0x0];
	s2 =	stileid.u32  }
0xb9: {  	s1 =	rddreg [dreg:$0x1];
	p0 =	sne.s32 s2, $0x0  }
0xba: {  	s3 =	rddreg [dreg:$0x2];
	[bflag:$0x3] =	sbarrier.arrive $0xFFFF;
	s2 =	simm.s32 @!p0 $0x1C03  }
0xbb: {  	[timem:s3], [sflag:s2] =	dma.local @!p0 [hbm:s0], s1  }
0xbc: {  	s0 =	simm.s32 @!p0 $0x3  }
0xbd: {  	_ =	swait.ge @!p0 [sflag:s0], s1  }
0xbe: {  	s1 =	ssub.s32 @!p0 $0x0, s1;
	[sflag:s0] =	ssyncset.done @!p0 $0x0  }
0xbf: {  	[sflag:s0] =	ssyncadd.s32 @!p0 s1  }
0xc0: {  	[bflag:$0x3] =	sbarrier.arrive $0xFFFF  }
0xc1: {  	_ =	shalt  }

// kernel: sparse-core-data-format-call.cloned.1.call-start
scs
called_computation_lowered:
.L_overlay_start_0:
0x0: {  	s2 =	sld [smem:$0x3FD9]  }
0x1: {  	s3 =	sld [smem:$0x3FFE];
	_ =	sdelay $0x1  }
0x2: {  	s1 =	srdreg.scid  }
0x3: {  	s0 =	sand.u32 $0x1, s1  }
0x4: {  	s18 =	sshll.u32 s0, $0xA;
	s2 =	sadd.s32 s3, s2  }
0x5: {  	s2 =	sadd.s32 s2, s18  }
0x6: {  	[smem:$0x3FC6] =	sst s2  }
0x7: {  	_ = 	snop  }
0x8: {  	s2 =	sld [smem:$0x3FD0];
	(tm) =	ssettm $0x1  }
0x9: {  	s19 =	sld [smem:$0x3FFB];
	_ =	sdelay $0x3  }
0xa: {  	_ =	strace s19  }
0xb: {  	s3 =	sld [smem:$0x3FFC];
	_ =	sdelay $0x3  }
0xc: {  	_ =	strace s3  }
0xd: {  	s3 =	sld [smem:$0x3FFD];
	_ =	sdelay $0x3  }
0xe: {  	_ =	strace s3  }
0xf: {  	_ =	strace $0x8FFFFFFF  }
0x10: {  	s20 =	sld [smem:$0x3FDB];
	_ =	sdelay $0x1  }
0x11: {  	s4 =	simm.s32 $_scs_section_size  }
0x12: {  	s5 =	simm.s32 $_size__tile_overlayer_lowered;
	s6 =	simm.s32 $_tile_overlayer_lowered  }
0x13: {  	s23 =	simm.s32 $0x1BFF;
	s22 =	sshll.u32 s6, $0x1;
	s3 =	sadd.s32 s4, s20  }
0x14: {  	s7 =	simm.s32 $0x0;
	s21 =	sshll.u32 s5, $0x1;
	s5 =	sadd.s32 s22, s3  }
0x15: {  	[timem:s7], [sflag:s23] =	dma.local [hbm:s5], s21  }
0x16: {  	_ =	swait.ge [sflag:s23], s21  }
0x17: {  	s4 =	ssub.s32 $0x0, s21;
	[sflag:s23] =	ssyncset.done $0x0  }
0x18: {  	[sflag:s23] =	ssyncadd.s32 s4;
	_ =	sdelay $0x1  }
0x19: {  	s24 =	simm.s32 $0x1B8B  }
0x1a: {  	_ =	swait.ge [sflag:s24], $0x1  }
0x1b: {  	[sflag:s24] =	ssyncset.done $0x0  }
0x1c: {  	s26 =	simm.s32 $0x1B8E;
	s25 =	sld [smem:$0x3FFE];
	[sflag:s24] =	ssyncadd.s32 $0xFFFFFFFF  }
0x1d: {  	s27 =	simm.s32 $execute0_lowered;
	[smem:$0x3FD2] =	sst s26  }
0x1e: {  	s5 =	sshll.u32 s27, $0x1;
	_ =	strace $0x80000049;
	[dreg:$0x1] =	wrdreg $0xFFFFFFFF  }
0x1f: {  	s28 =	simm.s32 $_size_execute0_lowered;
	s3 =	sadd.s32 s3, s5;
	[dreg:$0x0] =	wrdreg $0x0  }
0x20: {  	s5 =	sshll.u32 s28, $0x1;
	[dreg:$0x2] =	wrdreg s3  }
0x21: {  	[dreg:$0x3] =	wrdreg s5  }
0x22: {  	[dreg:$0x4] =	wrdreg $0xC0  }
0x23: {  	_ =	task [dreg:s7], $0x5FFFF  }
0x24: {  	[dreg:$0x1] =	wrdreg $0xFFFFFFFF  }
0x25: {  	[dreg:$0x0] =	wrdreg $0x60  }
0x26: {  	[dreg:$0x2] =	wrdreg s25  }
0x27: {  	[dreg:$0x3] =	wrdreg s2  }
0x28: {  	[dreg:$0x4] =	wrdreg $0x9  }
0x29: {  	_ =	task.clear_ibuf [dreg:s7], $0x5FFFF;
	_ =	strace $0x90000049  }
0x2a: {  	s29 =	simm.s32 $0x9;
	_ =	strace $0x8000004B  }
0x2b: {  	_ =	swait.ge [sflag:s29], $0x1  }
0x2c: {  	[sflag:s29] =	ssyncadd.s32 $0xFFFFFFFF  }
0x2d: {  	_ =	strace $0x9000004B  }
0x2e: {  	_ =	sfence  }
0x2f: {  	s30 =	sld [smem:$0x0];
	_ =	sdelay $0x2  }
0x30: {  	s31 =	sshll.u32 s1, $0xD;
	s1 =	sshrl.u32 s1, $0x2  }
0x31: {  	s3 =	sand.u32 $0x4000, s31;
	s1 =	sadd.s32 s1, s30  }
0x32: {  	s0 =	sor.u32 s3, s0;
	s1 =	sshll.u32 s1, $0x11  }
0x33: {  	s0 =	sor.u32 s1, s0  }
0x34: {  	s0 =	sadd.s32 $0x8F2B, s0  }
0x35: {  	[sflag:s0] =	ssyncadd.remote.s32 $0x1  }
0x36: {  	_ =	sfence.sel $0xFFFF  }
0x37: {  	[dreg:$0x0] =	wrdreg $0xFFFFFFFF;
	(pc) =	sbr.abs _section_cstart, $3  }
0x38: {  	[dreg:$0x1] =	wrdreg $0xFFFFFFFF  }
0x39: {  	_ =	task.clear_ibuf [dreg:s7], $0x2FFFF;
	_ =	strace $0x9FFFFFFF  }
0x3a: {  	(tm) =	ssettm $0x7FFFFFFF  }
0x3b: {  	_ =	shalt  }
tec
execute0_lowered:
.L_overlay_start_1:
0x0: {  	(tag) =	ssettag $0x1  }
0x1: {  	s0 =	srdreg.scid  }
0x2: {  	s1 =	sshll.u32 s0, $0x4  }
0x3: {  	s0 =	stileid.u32;
	s1 =	sand.u32 $0x10, s1  }
0x4: {  	s1 =	sor.u32 s0, s1  }
0x5: {  	s6 =	rddreg [dreg:$0x0];
	s4 =	simm.s32 $0x1;
	s2 =	sshll.u32 s1, $0x7  }
0x6: {  	s7 =	simm.s32 $0x2;
	s12 =	simm.s32 $0x0;
	s1 =	ssub.s32 $0x4000, s2  }
0x7: {  	s8 =	simm.s32 $0x20000;
	s13 =	simm.s32 $0x0;
	s3 =	sand.u32 $0xF80, s1  }
0x8: {  	s9 =	simm.s32 $0x0;
	s5 =	sshrl.u32 s1, $0xC;
	p0 =	sne.s32 s3, $0x0  }
.Ltmp0:
0x9: {  	s1 =	rddreg [dreg:$0x2];
	s4 =	simm.s32 @!p0 $0x0;
	(pc) =	sbr.rel .LBB1_1-.Ltmp0, $4  }
0xa: {  	s11 =	simm.s32 $0x0;
	s3 =	rddreg [dreg:$0x1];
	s5 =	sadd.s32 s4, s5  }
0xb: {  	_ =	strace $0x8000004A;
	s4 =	simm.s32 $0x1;
	s5 =	smul.u32 $0x32, s5  }
0xc: {  	s6 =	sadd.s32 $0xA00, s6;
	s10 =	smov.u32 s2;
	[sflag:s4] =	ssyncpa.u1 $0x0  }
0xd: {  	p0 =	por $0x0, $0x0;
	[sflag:s7] =	ssyncpa.u1 $0x0;
	s7 =	sor.u32 $0x1, s5  }
.LBB1_4:
0xe: {  	s16 =	sshll.u32 s13, $0x3;
	s17 =	sand.u32 $0x78, s13  }
0xf: {  	s30 =	sand.u32 $0xF800, s13;
	s12 =	sshll.u32 s12, $0x10;
	s16 =	sand.u32 $0x3C00, s16  }
0x10: {  	s31 =	sand.u32 $0x7, s13;
	s16 =	sor.u32 s17, s16;
	s17 =	sadd.s32 s3, s30  }
0x11: {  	s13 =	sshll.u32 s31, $0x12;
	s16 =	sshrl.u32 s16, $0x3;
	s12 =	sadd.s32 s12, s17  }
0x12: {  	[tilespmem:s15+$0x0 ss:$0x81] =	vst.msk $0xffff, v0;
	s13 =	sor.u32 $0x400, s13;
	s12 =	sadd.s32 s16, s12  }
0x13: {  	[hbm4b:s12+s13] =	stream.strided.scatter [tilespmem:s14], [sflag:$0x2], $0x1000, s8, s13, $0x20;
	[tilespmem:$0x4040] =	vst v63  }
.LBB1_5:
0x14: {  	s14 =	sadd.s32 $0x1, s9  }
0x15: {  	s12 =	sadd.s32 $0x1000, s10;
	s16 =	smov.u32 s10;
	p2 =	sgt.s32 s14, $0x31  }
0x16: {  	s16 =	smov.u32 @p2 s12  }
0x17: {  	s14 =	simm.s32 @p2 $0x0;
	p2 =	sgt.s32 s16, $0x3FFF  }
0x18: {  	s16 =	smov.u32 @p2 s2;
	p2 =	sne.s32 s11, s7  }
.Ltmp1:
0x19: {  	p1 =	slt.u32 s11, $0x2;
	(pc) =	sbr.rel @!p2 .LBB1_6-.Ltmp1, $4  }
0x1a: {  	s15 =	simm.s32 @!p1 $0x2  }
0x1b: {  	s13 =	smov.u32 s10;
	p0 =	por !p0, !p0;
	_ =	swait.ge @!p1 [sflag:s15], $0x1000  }
0x1c: {  	s12 =	smov.u32 s9;
	[sflag:s15] =	ssyncset.done @!p1 $0x0;
	s9 =	smov.u32 s14  }
0x1d: {  	s11 =	sadd.s32 $0x1, s11;
	[sflag:s15] =	ssyncadd.s32 @!p1 $0xFFFFF000;
	s10 =	smov.u32 s16  }
.LBB1_1:
0x1e: {  	p1 =	sge.u32 s11, s5  }
0x1f: {  	s14 =	sand.u32 @!p1 $0x1FFFFFF, s9  }
0x20: {  	s15 =	smulhi.u32 @!p1 $0x4924925, s14;
	_ =	sdelay $0x1  }
0x21: {  	s15 =	smul.u32 @!p1 $0x38, s15  }
0x22: {  	s16 =	sxor.u32 @!p1 $0xFFFFFFFF, s11;
	s17 =	smul.u32 @!p1 $0x380, s10  }
0x23: {  	s31 =	sadd.s32 $0xFFFFFFFF, s11;
	s16 =	sshll.u32 @!p1 s16, $0xC;
	s14 =	ssub.s32 @!p1 s14, s15  }
0x24: {  	s15 =	sand.u32 @!p1 $0x1000, s16;
	s16 =	sadd.s32 @!p1 s6, s17;
	s14 =	sshll.u32 @!p1 s14, $0x4  }
0x25: {  	s17 =	simm.s32 @!p1 $0x1C00;
	s14 =	sadd.s32 @!p1 s14, s16;
	s16 =	simm.s32 @!p1 $0x20  }
0x26: {  	[tilespmem:s15], [sflag:$0x1] =	stream.strided.gather @!p1 [hbm4b:s14+s16], $0x1000, s17, s16, $0x38;
	[tilespmem:$0x4040] =	vst v63  }
0x27: {  	p1 =	sge.u32 s31, s5  }
.Ltmp2:
0x28: {  	_ = 	snop;
	(pc) =	sbr.rel @p1 .LBB1_5-.Ltmp2, $1  }
0x29: {  	_ =	sdelay $0x3  }
0x2a: {  	s14 =	simm.s32 $0x1  }
0x2b: {  	_ =	swait.ge [sflag:s4], $0x1000;
	s14 =	simm.s32 @!p0 $0x0  }
0x2c: {  	[sflag:s4] =	ssyncset.done $0x0;
	s15 =	sshll.u32 s14, $0xC  }
0x2d: {  	[sflag:s4] =	ssyncadd.s32 $0xFFFFF000;
	s18 =	sor.u32 $0x10, s15  }
0x2e: {  	s14 =	smul.u32 $0x4080, s14;
	v1 =	vld [tilespmem:s18+$0x0]  }
0x2f: {  	s30 =	sand.u32 $0x1, s11;
	v0 =	vld [tilespmem:s18+$0xFFFFFFF0]  }
0x30: {  	s15 =	smul.u32 $0x4080, s30;
	s14 =	sshrl.u32 s14, $0x2  }
0x31: {  	s16 =	sor.u32 $0x2000, s14  }
0x32: {  	s31 =	sshrl.u32 s15, $0x2;
	s15 =	sadd.s32 $0x0, s16  }
0x33: {  	s17 =	simm.s32 $0x4;
	s18 =	sadd.s32 $0x20, s18;
	s14 =	sor.u32 $0x2000, s31;
	[tilespmem:s15+$0x810 ss:$0x81] =	vst.msk $0xffff, v1  }
.LBB1_3:
0x34: {  	v1 =	vld [tilespmem:s18+$0x0];
	p1 =	sne.s32 s17, $0x1FC;
	[tilespmem:s15+$0x0 ss:$0x81] =	vst.msk $0xffff, v0;
	s15 =	smov.u32 s17;
	s17 =	sadd.s32 $0x4, s17  }
.Ltmp3:
0x35: {  	v0 =	vld [tilespmem:s18+$0xFFFFFFF0];
	(pc) =	sbr.rel @p1 .LBB1_3-.Ltmp3, $4  }
0x36: {  	_ = 	snop  }
0x37: {  	s15 =	sshra.s32 s15, $0x2  }
0x38: {  	s15 =	sadd.s32 s15, s16  }
0x39: {  	s18 =	sadd.s32 $0x20, s18;
	[tilespmem:s15+$0x810 ss:$0x81] =	vst.msk $0xffff, v1  }
.Ltmp4:
0x3a: {  	_ = 	snop;
	(pc) =	sbr.rel .LBB1_4-.Ltmp4, $1  }
0x3b: {  	_ =	sdelay $0x3  }
.LBB1_6:
0x3c: {  	_ =	sfence.sel $0x180000  }
0x3d: {  	s2 =	simm.s32 $0x1;
	[bflag:$0x0] =	sbarrier.arrive $0xFFFF  }
0x3e: {  	s31 =	simm.s32 $0x2;
	[sflag:s2] =	ssyncpa.u1 $0x1  }
0x3f: {  	[sflag:s31] =	ssyncpa.u1 $0x1  }
0x40: {  	p0 =	sne.s32 s0, $0x0;
	_ =	strace $0x9000004A  }
0x41: {  	s0 =	sadd.s32 @!p0 $0x100000, s1;
	[bflag:$0x2] =	sbarrier.arrive $0xFFFF  }
0x42: {  	[sflag:s0] =	ssyncadd.tile.s32 @!p0 $0x1;
	_ =	shalt  }
.Lfunc_end1:
_tile_overlayer_lowered:
.L_overlay_start_2:
0x43: {  	(tag) =	ssettag $0x2  }
0x44: {  	s0 =	rddreg [dreg:$0x0];
	s2 =	stileid.u32  }
0x45: {  	s1 =	rddreg [dreg:$0x1];
	p0 =	sne.s32 s2, $0x0  }
0x46: {  	s3 =	rddreg [dreg:$0x2];
	[bflag:$0x3] =	sbarrier.arrive $0xFFFF;
	s2 =	simm.s32 @!p0 $0x1C01  }
0x47: {  	[timem:s3], [sflag:s2] =	dma.local @!p0 [hbm:s0], s1  }
0x48: {  	s0 =	simm.s32 @!p0 $0x1  }
0x49: {  	_ =	swait.ge @!p0 [sflag:s0], s1  }
0x4a: {  	s1 =	ssub.s32 @!p0 $0x0, s1;
	[sflag:s0] =	ssyncset.done @!p0 $0x0  }
0x4b: {  	[sflag:s0] =	ssyncadd.s32 @!p0 s1  }
0x4c: {  	[bflag:$0x3] =	sbarrier.arrive $0xFFFF  }
0x4d: {  	_ =	shalt  }

</sc_bundles>
